<compile_context>
chip_gen: v7x
topology: tpu7x:2x2x1
jax: 0.10.2.dev20260603
libtpu: 0.0.44.dev20260713+nightly
codegen_flags: <defaults>
</compile_context>

<pallas_src>
import dataclasses
import functools

import jax
import jax.numpy as jnp
from jax import lax
from jax.experimental import pallas as pl
from jax.experimental.pallas import tpu as pltpu
from jax.experimental.pallas import tpu_sc as plsc

NC = 2
NS = 16
L = 16
CH = 128
NW = NC * NS

_CP = pltpu.CompilerParams()
if "needs_layout_passes" in pltpu.CompilerParams.__dataclass_fields__:
  _CP = dataclasses.replace(_CP, needs_layout_passes=False)


def _deg_kernel(nrow, nchunk):
  nseg = nrow // 8
  mesh = plsc.VectorSubcoreMesh(core_axis_name="c", subcore_axis_name="s")

  @functools.partial(
      pl.kernel,
      mesh=mesh,
      compiler_params=_CP,
      out_type=jax.ShapeDtypeStruct((NC, nrow, 128), jnp.float32),
      scratch_types=[
          pltpu.VMEM((nchunk, CH), jnp.int32),
          pltpu.VMEM((nrow, 128), jnp.float32),
          pltpu.VMEM((nrow,), jnp.int32),
          pltpu.VMEM_SHARED((nrow, 128), jnp.float32),
      ],
  )
  def k(ei_hbm, out_hbm, idx_v, hist_v, rows_v, deg_sh):
    c = lax.axis_index("c")
    s = lax.axis_index("s")
    wid = c * NS + s
    pltpu.sync_copy(ei_hbm.at[1, wid], idx_v)

    @pl.loop(0, nrow)
    def _(r):
      @pl.loop(0, 128, step=L)
      def _(cc):
        hist_v[r, pl.ds(cc, L)] = jnp.zeros((L,), jnp.float32)

    sl = pl.ds(s * 8, 8)

    @pl.when(s < nseg)
    def _():
      pltpu.sync_copy(hist_v.at[pl.ds(0, 8)], deg_sh.at[sl])

    ones16 = jnp.ones((L,), jnp.float32)

    @pl.loop(0, nrow, step=L)
    def _(r):
      rows_v[pl.ds(r, L)] = lax.iota(jnp.int32, L) + r

    @pl.loop(0, nchunk)
    def _(j):
      @pl.loop(0, CH, step=L)
      def _(cc):
        idx16 = idx_v[j, pl.ds(cc, L)]
        row = lax.shift_right_logical(idx16, 7)
        col = lax.bitwise_and(idx16, 127)
        plsc.addupdate_scatter(hist_v, [row, col], ones16)

    plsc.subcore_barrier()
    pltpu.sync_copy(hist_v, deg_sh.at[rows_v], add=True)
    plsc.subcore_barrier()

    @pl.when(s < nseg)
    def _():
      pltpu.sync_copy(deg_sh.at[sl], out_hbm.at[c, sl])

  return k


NPH = 2


def _accum_kernel(n_pad, d, nchunk):
  rps = n_pad // NS
  w = nchunk // NPH
  mesh = plsc.VectorSubcoreMesh(core_axis_name="c", subcore_axis_name="s")

  @functools.partial(
      pl.kernel,
      mesh=mesh,
      out_type=jax.ShapeDtypeStruct((NC, n_pad, d), jnp.float32),
      scratch_types=[
          pltpu.VMEM((w, CH), jnp.int32),
          pltpu.VMEM((w, CH), jnp.int32),
          pltpu.VMEM((CH, d), jnp.float32),
          pltpu.VMEM((CH, d), jnp.float32),
          pltpu.VMEM_SHARED((n_pad, d), jnp.float32),
          pltpu.SemaphoreType.DMA,
          pltpu.SemaphoreType.DMA,
      ],
  )
  def k(h_hbm, ei_hbm, out_hbm, src_v, dst_v, rows0_v,
        rows1_v, acc_sh, sem0, sem1):
    c = lax.axis_index("c")
    s = lax.axis_index("s")
    wid = c * NS + s
    sl = pl.ds(s * rps, rps)

    @pl.loop(0, CH)
    def _(r):
      @pl.loop(0, d, step=L)
      def _(cc):
        rows1_v[r, pl.ds(cc, L)] = jnp.zeros((L,), jnp.float32)

    @pl.loop(0, rps, step=CH)
    def _(r):
      pltpu.sync_copy(rows1_v, acc_sh.at[pl.ds(s * rps + r, CH)])

    plsc.subcore_barrier()

    for p in range(NPH):
      pltpu.sync_copy(ei_hbm.at[0, wid, pl.ds(p * w, w)], src_v)
      pltpu.sync_copy(ei_hbm.at[1, wid, pl.ds(p * w, w)], dst_v)
      pltpu.async_copy(h_hbm.at[src_v.at[0]], rows0_v, sem0)

      @pl.loop(0, w, step=2)
      def _(j):
        pltpu.async_copy(h_hbm.at[src_v.at[j + 1]], rows1_v, sem1)
        pltpu.make_async_copy(h_hbm.at[src_v.at[j]], rows0_v, sem0).wait()
        pltpu.sync_copy(rows0_v, acc_sh.at[dst_v.at[j]], add=True)

        @pl.when(j + 2 < w)
        def _():
          pltpu.async_copy(h_hbm.at[src_v.at[j + 2]], rows0_v, sem0)

        pltpu.make_async_copy(h_hbm.at[src_v.at[j + 1]], rows1_v,
                              sem1).wait()
        pltpu.sync_copy(rows1_v, acc_sh.at[dst_v.at[j + 1]], add=True)

    plsc.subcore_barrier()
    pltpu.sync_copy(acc_sh.at[sl], out_hbm.at[c, sl])

  return k


def _scale_body(feat_ref, deg_ref, h_ref):
  norm = lax.rsqrt(jnp.maximum(deg_ref[...], 1.0))
  h_ref[...] = feat_ref[...] * norm


def _final_body(accp_ref, deg_ref, out_ref):
  norm = lax.rsqrt(jnp.maximum(deg_ref[...], 1.0))
  out_ref[...] = (accp_ref[0] + accp_ref[1]) * norm


@jax.jit
def kernel(feat, edge_index):
  n, d = feat.shape
  e = edge_index.shape[1]

  nchunk = 2 * NPH * -(-e // (NW * CH * 2 * NPH))
  e_pad = NW * nchunk * CH
  nrow = -(-(n + 1) // (NS * 128)) * NS
  n_pad = nrow * 128

  pad = e_pad - e
  pad_src = jnp.arange(pad, dtype=jnp.int32) % n
  pad_dst = n + (jnp.arange(pad, dtype=jnp.int32) % (n_pad - n))
  ei_t = jnp.concatenate(
      [edge_index, jnp.stack([pad_src, pad_dst])], axis=1,
  ).reshape(2, NW, nchunk, CH)

  degp = _deg_kernel(nrow, nchunk)(ei_t)
  deg = (degp[0] + degp[1]).reshape(-1)[:n].reshape(n, 1)

  br = 2000
  h = pl.pallas_call(
      _scale_body,
      grid=(n // br,),
      in_specs=[
          pl.BlockSpec((br, d), lambda i: (i, 0)),
          pl.BlockSpec((br, 1), lambda i: (i, 0)),
      ],
      out_specs=pl.BlockSpec((br, d), lambda i: (i, 0)),
      out_shape=jax.ShapeDtypeStruct((n, d), jnp.float32),
  )(feat, deg)

  accp = _accum_kernel(n_pad, d, nchunk)(h, ei_t)

  out = pl.pallas_call(
      _final_body,
      grid=(n // br,),
      in_specs=[
          pl.BlockSpec((NC, br, d), lambda i: (0, i, 0)),
          pl.BlockSpec((br, 1), lambda i: (i, 0)),
      ],
      out_specs=pl.BlockSpec((br, d), lambda i: (i, 0)),
      out_shape=jax.ShapeDtypeStruct((n, d), jnp.float32),
  )(accp, deg)
  return out

# --- scband reference (transcript-rebuilt; emitter-appended) ---
"""Pipeline reference for scband-lgconv-21852793602104 (READ-ONLY COPY).

The authoritative reference and input builder live on the scoring server;
editing this copy changes nothing except your own understanding.
"""

import jax, jax.numpy as jnp
import numpy as np

N = 10000
E = 320000
D = 128
K = 1

def setup_inputs(seed: int = 0) -> dict:
    key = jax.random.key(seed)
    k1, k2 = jax.random.split(key)
    feat = jax.random.normal(k1, (N, D), dtype=jnp.float32)
    edge_index = jax.random.randint(k2, (2, E), 0, N, dtype=jnp.int32)
    return {"feat": feat, "edge_index": edge_index}

def reference(feat, edge_index):
    # LGConv / SGC-style propagation: feat <- D^{-1/2} A D^{-1/2} feat, repeated k times.
    src = edge_index[0]
    dst = edge_index[1]
    # in_degrees().float().clamp(min=1)
    deg = jnp.zeros((N,), dtype=feat.dtype).at[dst].add(1.0)
    deg = jnp.clip(deg, 1.0, None)
    norm = jnp.power(deg, -0.5)[:, None]
    for _ in range(K):
        feat = feat * norm
        # copy_u -> sum: gather from src nodes, scatter-add into dst nodes
        msgs = jnp.take(feat, src, axis=0)
        feat = jax.ops.segment_sum(msgs, dst, num_segments=N)
        feat = feat * norm
    return feat

if __name__ == "__main__":
    import jax
    _d = setup_inputs()
    print(jax.jit(kernel)(*tuple(_d.values())))

</pallas_src>

<mosaic_0001>
#map = affine_map<(d0, d1) -> (0, 0, 0, 0)>
#map1 = affine_map<(d0, d1) -> (0, 0, 0)>
module attributes {stable_mosaic.version = 14 : i64} {
  func.func @k(%arg0: i32, %arg1: i32, %arg2: memref<2x32x80x128xi32, #tpu.memory_space<hbm>>, %arg3: memref<2x80x128xf32, #tpu.memory_space<hbm>>, %arg4: memref<80x128xi32, #tpu.memory_space<vmem>>, %arg5: memref<80x128xf32, #tpu.memory_space<vmem>>, %arg6: memref<80xi32, #tpu.memory_space<vmem>>, %arg7: memref<80x128xf32, #tpu.memory_space<vmem_shared>>) attributes {dimension_semantics = [#tpu.dimension_semantics<core_parallel>, #tpu.dimension_semantics<subcore_parallel>], iteration_bounds = array<i64: 2, 16>, scalar_prefetch = 0 : i64, scratch_operands = 4 : i64, tpu.core_type = #tpu.core_type<sc_vector_subcore>, window_params = [{transform_indices = #map}, {transform_indices = #map1}]} {
    %mul3A = arith.constant 16 : i32
    %mul3A_0 = arith.muli %arg0, %mul3A : i32
    %add3A = arith.addi %mul3A_0, %arg1 : i32
    %run_scoped3A = arith.constant 1 : i32
    "tpu.region"() ({
      %run_scoped3A_26 = tpu.sem_alloc : memref<!tpu.dma_semaphore, #tpu.memory_space<semaphore_mem>>
      %dma_start3A = arith.constant 0 : i32
      %dma_start3A_27 = arith.constant 0 : i32
      %dma_start3A_28 = tpu.memref_slice %arg2[%run_scoped3A, %add3A, %dma_start3A, %dma_start3A_27] : memref<2x32x80x128xi32, #tpu.memory_space<hbm>> -> memref<1x1x80x128xi32, #tpu.memory_space<hbm>>
      %dma_start3A_29 = tpu.memref_squeeze %dma_start3A_28 : memref<1x1x80x128xi32, #tpu.memory_space<hbm>> -> memref<80x128xi32, #tpu.memory_space<hbm>>
      %dma_start3A_30 = arith.constant 0 : i32
      %dma_start3A_31 = arith.constant 0 : i32
      %dma_start3A_32 = tpu.memref_slice %arg2[%run_scoped3A, %add3A, %dma_start3A_30, %dma_start3A_31] : memref<2x32x80x128xi32, #tpu.memory_space<hbm>> -> memref<1x1x80x128xi32, #tpu.memory_space<hbm>>
      %dma_start3A_33 = tpu.memref_squeeze %dma_start3A_32 : memref<1x1x80x128xi32, #tpu.memory_space<hbm>> -> memref<80x128xi32, #tpu.memory_space<hbm>>
      tpu.enqueue_dma source(%dma_start3A_33 : memref<80x128xi32, #tpu.memory_space<hbm>>) target(%arg4 : memref<80x128xi32, #tpu.memory_space<vmem>>) target_semaphore(%run_scoped3A_26 : memref<!tpu.dma_semaphore, #tpu.memory_space<semaphore_mem>>)
      %dma_wait3A = arith.constant 0 : i32
      %dma_wait3A_34 = arith.constant 0 : i32
      %dma_wait3A_35 = tpu.memref_slice %arg2[%run_scoped3A, %add3A, %dma_wait3A, %dma_wait3A_34] : memref<2x32x80x128xi32, #tpu.memory_space<hbm>> -> memref<1x1x80x128xi32, #tpu.memory_space<hbm>>
      %dma_wait3A_36 = tpu.memref_squeeze %dma_wait3A_35 : memref<1x1x80x128xi32, #tpu.memory_space<hbm>> -> memref<80x128xi32, #tpu.memory_space<hbm>>
      %dma_wait3A_37 = arith.constant 0 : i32
      %dma_wait3A_38 = arith.constant 0 : i32
      %dma_wait3A_39 = tpu.memref_slice %arg2[%run_scoped3A, %add3A, %dma_wait3A_37, %dma_wait3A_38] : memref<2x32x80x128xi32, #tpu.memory_space<hbm>> -> memref<1x1x80x128xi32, #tpu.memory_space<hbm>>
      %dma_wait3A_40 = tpu.memref_squeeze %dma_wait3A_39 : memref<1x1x80x128xi32, #tpu.memory_space<hbm>> -> memref<80x128xi32, #tpu.memory_space<hbm>>
      tpu.wait_dma2 semaphore(%run_scoped3A_26 : memref<!tpu.dma_semaphore, #tpu.memory_space<semaphore_mem>>) src(%dma_wait3A_40 : memref<80x128xi32, #tpu.memory_space<hbm>>) dst(%arg4 : memref<80x128xi32, #tpu.memory_space<vmem>>)
      tpu.yield
    }) : () -> ()
    %scan3A = arith.constant 0 : i32
    %scan3A_1 = arith.constant 80 : i32
    %scan3A_2 = arith.addi %scan3A, %scan3A_1 : i32
    %scan3A_3 = arith.constant 1 : i32
    scf.for %scan3A_26 = %scan3A to %scan3A_2 step %scan3A_3  : i32 {
      %mul3A_27 = arith.constant 1 : i32
      %mul3A_28 = arith.muli %scan3A_26, %mul3A_27 : i32
      %add3A_29 = arith.constant 0 : i32
      %add3A_30 = arith.addi %add3A_29, %mul3A_28 : i32
      %scan3A_31 = arith.constant 0 : i32
      %scan3A_32 = arith.constant 8 : i32
      %scan3A_33 = arith.addi %scan3A_31, %scan3A_32 : i32
      %scan3A_34 = arith.constant 1 : i32
      scf.for %scan3A_36 = %scan3A_31 to %scan3A_33 step %scan3A_34  : i32 {
        %mul3A_37 = arith.constant 16 : i32
        %mul3A_38 = arith.muli %scan3A_36, %mul3A_37 : i32
        %add3A_39 = arith.constant 0 : i32
        %add3A_40 = arith.addi %add3A_39, %mul3A_38 : i32
        %broadcast_in_dim3A_41 = arith.constant 0.000000e+00 : f32
        %broadcast_in_dim3A_42 = vector.broadcast %broadcast_in_dim3A_41 : f32 to vector<16xf32>
        %swap3A = arith.index_cast %add3A_30 : i32 to index
        %swap3A_43 = arith.index_cast %add3A_40 : i32 to index
        %swap3A_44 = tpu.vector_load %arg5[%swap3A, %swap3A_43] {strides = array<i32>} : memref<80x128xf32, #tpu.memory_space<vmem>>, vector<16xf32>,
        tpu.vector_store %arg5[%swap3A, %swap3A_43], %broadcast_in_dim3A_42 {strides = array<i32>} : memref<80x128xf32, #tpu.memory_space<vmem>>, vector<16xf32>,
      }
      %scan3A_35 = arith.constant 8 : i32
    }
    %scan3A_4 = arith.constant 80 : i32
    %mul3A_5 = arith.constant 8 : i32
    %mul3A_6 = arith.muli %arg1, %mul3A_5 : i32
    %lt3A = arith.constant 10 : i32
    %lt3A_7 = arith.cmpi slt, %arg1, %lt3A : i32
    %convert_element_type3A = arith.extui %lt3A_7 : i1 to i32
    %cond3A = arith.constant 0 : i32
    %cond3A_8 = arith.cmpi ne, %convert_element_type3A, %cond3A : i32
    scf.if %cond3A_8 {
      "tpu.region"() ({
        %run_scoped3A_26 = tpu.sem_alloc : memref<!tpu.dma_semaphore, #tpu.memory_space<semaphore_mem>>
        %dma_start3A = arith.constant 0 : i32
        %dma_start3A_27 = arith.constant 0 : i32
        %dma_start3A_28 = tpu.memref_slice %arg5[%dma_start3A, %dma_start3A_27] : memref<80x128xf32, #tpu.memory_space<vmem>> -> memref<8x128xf32, #tpu.memory_space<vmem>>
        %dma_start3A_29 = arith.constant 0 : i32
        %dma_start3A_30 = tpu.memref_slice %arg7[%mul3A_6, %dma_start3A_29] : memref<80x128xf32, #tpu.memory_space<vmem_shared>> -> memref<8x128xf32, #tpu.memory_space<vmem_shared>>
        %dma_start3A_31 = arith.constant 0 : i32
        %dma_start3A_32 = tpu.memref_slice %arg7[%mul3A_6, %dma_start3A_31] : memref<80x128xf32, #tpu.memory_space<vmem_shared>> -> memref<8x128xf32, #tpu.memory_space<vmem_shared>>
        %dma_start3A_33 = arith.constant 0 : i32
        %dma_start3A_34 = arith.constant 0 : i32
        %dma_start3A_35 = tpu.memref_slice %arg5[%dma_start3A_33, %dma_start3A_34] : memref<80x128xf32, #tpu.memory_space<vmem>> -> memref<8x128xf32, #tpu.memory_space<vmem>>
        tpu.enqueue_dma source(%dma_start3A_35 : memref<8x128xf32, #tpu.memory_space<vmem>>) target(%dma_start3A_32 : memref<8x128xf32, #tpu.memory_space<vmem_shared>>) target_semaphore(%run_scoped3A_26 : memref<!tpu.dma_semaphore, #tpu.memory_space<semaphore_mem>>)
        %dma_wait3A = arith.constant 0 : i32
        %dma_wait3A_36 = arith.constant 0 : i32
        %dma_wait3A_37 = tpu.memref_slice %arg5[%dma_wait3A, %dma_wait3A_36] : memref<80x128xf32, #tpu.memory_space<vmem>> -> memref<8x128xf32, #tpu.memory_space<vmem>>
        %dma_wait3A_38 = arith.constant 0 : i32
        %dma_wait3A_39 = tpu.memref_slice %arg7[%mul3A_6, %dma_wait3A_38] : memref<80x128xf32, #tpu.memory_space<vmem_shared>> -> memref<8x128xf32, #tpu.memory_space<vmem_shared>>
        %dma_wait3A_40 = arith.constant 0 : i32
        %dma_wait3A_41 = tpu.memref_slice %arg7[%mul3A_6, %dma_wait3A_40] : memref<80x128xf32, #tpu.memory_space<vmem_shared>> -> memref<8x128xf32, #tpu.memory_space<vmem_shared>>
        %dma_wait3A_42 = arith.constant 0 : i32
        %dma_wait3A_43 = arith.constant 0 : i32
        %dma_wait3A_44 = tpu.memref_slice %arg5[%dma_wait3A_42, %dma_wait3A_43] : memref<80x128xf32, #tpu.memory_space<vmem>> -> memref<8x128xf32, #tpu.memory_space<vmem>>
        tpu.wait_dma2 semaphore(%run_scoped3A_26 : memref<!tpu.dma_semaphore, #tpu.memory_space<semaphore_mem>>) src(%dma_wait3A_44 : memref<8x128xf32, #tpu.memory_space<vmem>>) dst(%dma_wait3A_41 : memref<8x128xf32, #tpu.memory_space<vmem_shared>>)
        tpu.yield
      }) : () -> ()
    } else {
    }
    %broadcast_in_dim3A = arith.constant 1.000000e+00 : f32
    %broadcast_in_dim3A_9 = vector.broadcast %broadcast_in_dim3A : f32 to vector<16xf32>
    %scan3A_10 = arith.constant 0 : i32
    %scan3A_11 = arith.constant 5 : i32
    %scan3A_12 = arith.addi %scan3A_10, %scan3A_11 : i32
    %scan3A_13 = arith.constant 1 : i32
    scf.for %scan3A_26 = %scan3A_10 to %scan3A_12 step %scan3A_13  : i32 {
      %mul3A_27 = arith.constant 16 : i32
      %mul3A_28 = arith.muli %scan3A_26, %mul3A_27 : i32
      %add3A_29 = arith.constant 0 : i32
      %add3A_30 = arith.addi %add3A_29, %mul3A_28 : i32
      %iota3A = tpu.iota {dimensions = array<i32: 0>} : vector<16xi32>
      %add3A_31 = vector.broadcast %add3A_30 : i32 to vector<16xi32>
      %add3A_32 = arith.addi %iota3A, %add3A_31 : vector<16xi32>
      %swap3A = arith.index_cast %add3A_30 : i32 to index
      %swap3A_33 = tpu.vector_load %arg6[%swap3A] {strides = array<i32>} : memref<80xi32, #tpu.memory_space<vmem>>, vector<16xi32>,
      tpu.vector_store %arg6[%swap3A], %add3A_32 {strides = array<i32>} : memref<80xi32, #tpu.memory_space<vmem>>, vector<16xi32>,
    }
    %scan3A_14 = arith.constant 5 : i32
    %scan3A_15 = arith.constant 0 : i32
    %scan3A_16 = arith.constant 80 : i32
    %scan3A_17 = arith.addi %scan3A_15, %scan3A_16 : i32
    %scan3A_18 = arith.constant 1 : i32
    scf.for %scan3A_26 = %scan3A_15 to %scan3A_17 step %scan3A_18  : i32 {
      %mul3A_27 = arith.constant 1 : i32
      %mul3A_28 = arith.muli %scan3A_26, %mul3A_27 : i32
      %add3A_29 = arith.constant 0 : i32
      %add3A_30 = arith.addi %add3A_29, %mul3A_28 : i32
      %scan3A_31 = arith.constant 0 : i32
      %scan3A_32 = arith.constant 8 : i32
      %scan3A_33 = arith.addi %scan3A_31, %scan3A_32 : i32
      %scan3A_34 = arith.constant 1 : i32
      scf.for %scan3A_36 = %scan3A_31 to %scan3A_33 step %scan3A_34  : i32 {
        %mul3A_37 = arith.constant 16 : i32
        %mul3A_38 = arith.muli %scan3A_36, %mul3A_37 : i32
        %add3A_39 = arith.constant 0 : i32
        %add3A_40 = arith.addi %add3A_39, %mul3A_38 : i32
        %get3A = arith.index_cast %add3A_30 : i32 to index
        %get3A_41 = arith.index_cast %add3A_40 : i32 to index
        %get3A_42 = tpu.vector_load %arg4[%get3A, %get3A_41] {strides = array<i32>} : memref<80x128xi32, #tpu.memory_space<vmem>>, vector<16xi32>,
        %shift_right_logical3A = arith.constant 7 : i32
        %shift_right_logical3A_43 = vector.broadcast %shift_right_logical3A : i32 to vector<16xi32>
        %shift_right_logical3A_44 = arith.shrui %get3A_42, %shift_right_logical3A_43 : vector<16xi32>
        %and3A = arith.constant 127 : i32
        %and3A_45 = vector.broadcast %and3A : i32 to vector<16xi32>
        %and3A_46 = arith.andi %get3A_42, %and3A_45 : vector<16xi32>
        tpu.vector_store_idx %arg5[%shift_right_logical3A_44, %and3A_46], %broadcast_in_dim3A_9 {add = true} : memref<80x128xf32, #tpu.memory_space<vmem>>[vector<16xi32>, vector<16xi32>], vector<16xf32>,
      }
      %scan3A_35 = arith.constant 8 : i32
    }
    %scan3A_19 = arith.constant 80 : i32
    %barrier3A = arith.constant 0 : index
    tpu.barrier barrier_id(%barrier3A)
    "tpu.region"() ({
      %run_scoped3A_26 = tpu.sem_alloc : memref<!tpu.dma_semaphore, #tpu.memory_space<semaphore_mem>>
      %dma_start3A = arith.constant 0 : i32
      %dma_start3A_27 = arith.constant 0 : i32
      %dma_start3A_28 = tpu.memref_slice %arg7[%dma_start3A, %dma_start3A_27] : memref<80x128xf32, #tpu.memory_space<vmem_shared>> -> memref<80x128xf32, #tpu.memory_space<vmem_shared>>
      tpu.enqueue_indirect_dma source(%arg5 : memref<80x128xf32, #tpu.memory_space<vmem>>) target(%dma_start3A_28 : memref<80x128xf32, #tpu.memory_space<vmem_shared>>) offsets(%arg6 : memref<80xi32, #tpu.memory_space<vmem>>) semaphore(%run_scoped3A_26 : memref<!tpu.dma_semaphore, #tpu.memory_space<semaphore_mem>>) {add = true}
      %dma_wait3A = arith.constant 0 : i32
      %dma_wait3A_29 = arith.constant 0 : i32
      %dma_wait3A_30 = tpu.memref_slice %arg7[%dma_wait3A, %dma_wait3A_29] : memref<80x128xf32, #tpu.memory_space<vmem_shared>> -> memref<80x128xf32, #tpu.memory_space<vmem_shared>>
      tpu.wait_indirect_dma semaphore(%run_scoped3A_26 : memref<!tpu.dma_semaphore, #tpu.memory_space<semaphore_mem>>) src(%arg5 : memref<80x128xf32, #tpu.memory_space<vmem>>) dst(%dma_wait3A_30 : memref<80x128xf32, #tpu.memory_space<vmem_shared>>)
      tpu.yield
    }) : () -> ()
    %barrier3A_20 = arith.constant 0 : index
    tpu.barrier barrier_id(%barrier3A_20)
    %lt3A_21 = arith.constant 10 : i32
    %lt3A_22 = arith.cmpi slt, %arg1, %lt3A_21 : i32
    %convert_element_type3A_23 = arith.extui %lt3A_22 : i1 to i32
    %cond3A_24 = arith.constant 0 : i32
    %cond3A_25 = arith.cmpi ne, %convert_element_type3A_23, %cond3A_24 : i32
    scf.if %cond3A_25 {
      "tpu.region"() ({
        %run_scoped3A_26 = tpu.sem_alloc : memref<!tpu.dma_semaphore, #tpu.memory_space<semaphore_mem>>
        %dma_start3A = arith.constant 0 : i32
        %dma_start3A_27 = tpu.memref_slice %arg3[%arg0, %mul3A_6, %dma_start3A] : memref<2x80x128xf32, #tpu.memory_space<hbm>> -> memref<1x8x128xf32, #tpu.memory_space<hbm>>
        %dma_start3A_28 = tpu.memref_squeeze %dma_start3A_27 : memref<1x8x128xf32, #tpu.memory_space<hbm>> -> memref<8x128xf32, #tpu.memory_space<hbm>>
        %dma_start3A_29 = arith.constant 0 : i32
        %dma_start3A_30 = tpu.memref_slice %arg7[%mul3A_6, %dma_start3A_29] : memref<80x128xf32, #tpu.memory_space<vmem_shared>> -> memref<8x128xf32, #tpu.memory_space<vmem_shared>>
        tpu.enqueue_dma source(%dma_start3A_30 : memref<8x128xf32, #tpu.memory_space<vmem_shared>>) target(%dma_start3A_28 : memref<8x128xf32, #tpu.memory_space<hbm>>) target_semaphore(%run_scoped3A_26 : memref<!tpu.dma_semaphore, #tpu.memory_space<semaphore_mem>>)
        %dma_wait3A = arith.constant 0 : i32
        %dma_wait3A_31 = tpu.memref_slice %arg3[%arg0, %mul3A_6, %dma_wait3A] : memref<2x80x128xf32, #tpu.memory_space<hbm>> -> memref<1x8x128xf32, #tpu.memory_space<hbm>>
        %dma_wait3A_32 = tpu.memref_squeeze %dma_wait3A_31 : memref<1x8x128xf32, #tpu.memory_space<hbm>> -> memref<8x128xf32, #tpu.memory_space<hbm>>
        %dma_wait3A_33 = arith.constant 0 : i32
        %dma_wait3A_34 = tpu.memref_slice %arg7[%mul3A_6, %dma_wait3A_33] : memref<80x128xf32, #tpu.memory_space<vmem_shared>> -> memref<8x128xf32, #tpu.memory_space<vmem_shared>>
        tpu.wait_dma2 semaphore(%run_scoped3A_26 : memref<!tpu.dma_semaphore, #tpu.memory_space<semaphore_mem>>) src(%dma_wait3A_34 : memref<8x128xf32, #tpu.memory_space<vmem_shared>>) dst(%dma_wait3A_32 : memref<8x128xf32, #tpu.memory_space<hbm>>)
        tpu.yield
      }) : () -> ()
    } else {
    }
    return
  }
}

#map = affine_map<(d0, d1) -> (0, 0)>
#map1 = affine_map<(d0, d1) -> (0, 0, 0, 0)>
#map2 = affine_map<(d0, d1) -> (0, 0, 0)>
module attributes {stable_mosaic.version = 14 : i64} {
  func.func @k(%arg0: i32, %arg1: i32, %arg2: memref<10000x128xf32, #tpu.memory_space<hbm>>, %arg3: memref<2x32x80x128xi32, #tpu.memory_space<hbm>>, %arg4: memref<2x10240x128xf32, #tpu.memory_space<hbm>>, %arg5: memref<40x128xi32, #tpu.memory_space<vmem>>, %arg6: memref<40x128xi32, #tpu.memory_space<vmem>>, %arg7: memref<128x128xf32, #tpu.memory_space<vmem>>, %arg8: memref<128x128xf32, #tpu.memory_space<vmem>>, %arg9: memref<10240x128xf32, #tpu.memory_space<vmem_shared>>, %arg10: memref<!tpu.dma_semaphore, #tpu.memory_space<semaphore_mem>>, %arg11: memref<!tpu.dma_semaphore, #tpu.memory_space<semaphore_mem>>) attributes {dimension_semantics = [#tpu.dimension_semantics<core_parallel>, #tpu.dimension_semantics<subcore_parallel>], iteration_bounds = array<i64: 2, 16>, scalar_prefetch = 0 : i64, scratch_operands = 7 : i64, tpu.core_type = #tpu.core_type<sc_vector_subcore>, window_params = [{transform_indices = #map}, {transform_indices = #map1}, {transform_indices = #map2}]} {
    %mul3A = arith.constant 16 : i32
    %mul3A_0 = arith.muli %arg0, %mul3A : i32
    %add3A = arith.addi %mul3A_0, %arg1 : i32
    %mul3A_1 = arith.constant 640 : i32
    %mul3A_2 = arith.muli %arg1, %mul3A_1 : i32
    %scan3A = arith.constant 0 : i32
    %scan3A_3 = arith.constant 128 : i32
    %scan3A_4 = arith.addi %scan3A, %scan3A_3 : i32
    %scan3A_5 = arith.constant 1 : i32
    scf.for %scan3A_39 = %scan3A to %scan3A_4 step %scan3A_5  : i32 {
      %mul3A_40 = arith.constant 1 : i32
      %mul3A_41 = arith.muli %scan3A_39, %mul3A_40 : i32
      %add3A_42 = arith.constant 0 : i32
      %add3A_43 = arith.addi %add3A_42, %mul3A_41 : i32
      %scan3A_44 = arith.constant 0 : i32
      %scan3A_45 = arith.constant 8 : i32
      %scan3A_46 = arith.addi %scan3A_44, %scan3A_45 : i32
      %scan3A_47 = arith.constant 1 : i32
      scf.for %scan3A_49 = %scan3A_44 to %scan3A_46 step %scan3A_47  : i32 {
        %mul3A_50 = arith.constant 16 : i32
        %mul3A_51 = arith.muli %scan3A_49, %mul3A_50 : i32
        %add3A_52 = arith.constant 0 : i32
        %add3A_53 = arith.addi %add3A_52, %mul3A_51 : i32
        %broadcast_in_dim3A = arith.constant 0.000000e+00 : f32
        %broadcast_in_dim3A_54 = vector.broadcast %broadcast_in_dim3A : f32 to vector<16xf32>
        %swap3A = arith.index_cast %add3A_43 : i32 to index
        %swap3A_55 = arith.index_cast %add3A_53 : i32 to index
        %swap3A_56 = tpu.vector_load %arg8[%swap3A, %swap3A_55] {strides = array<i32>} : memref<128x128xf32, #tpu.memory_space<vmem>>, vector<1x16xf32>,
        %swap3A_57 = vector.shape_cast %swap3A_56 : vector<1x16xf32> to vector<16xf32>
        %swap3A_58 = vector.shape_cast %broadcast_in_dim3A_54 : vector<16xf32> to vector<1x16xf32>
        tpu.vector_store %arg8[%swap3A, %swap3A_55], %swap3A_58 {strides = array<i32>} : memref<128x128xf32, #tpu.memory_space<vmem>>, vector<1x16xf32>,
      }
      %scan3A_48 = arith.constant 8 : i32
    }
    %scan3A_6 = arith.constant 128 : i32
    %scan3A_7 = arith.constant 0 : i32
    %scan3A_8 = arith.constant 5 : i32
    %scan3A_9 = arith.addi %scan3A_7, %scan3A_8 : i32
    %scan3A_10 = arith.constant 1 : i32
    scf.for %scan3A_39 = %scan3A_7 to %scan3A_9 step %scan3A_10  : i32 {
      %mul3A_40 = arith.constant 128 : i32
      %mul3A_41 = arith.muli %scan3A_39, %mul3A_40 : i32
      %add3A_42 = arith.constant 0 : i32
      %add3A_43 = arith.addi %add3A_42, %mul3A_41 : i32
      %mul3A_44 = arith.constant 640 : i32
      %mul3A_45 = arith.muli %arg1, %mul3A_44 : i32
      %add3A_46 = arith.addi %mul3A_45, %add3A_43 : i32
      "tpu.region"() ({
        %run_scoped3A_47 = tpu.sem_alloc : memref<!tpu.dma_semaphore, #tpu.memory_space<semaphore_mem>>
        %dma_start3A_48 = arith.constant 0 : i32
        %dma_start3A_49 = tpu.memref_slice %arg9[%add3A_46, %dma_start3A_48] : memref<10240x128xf32, #tpu.memory_space<vmem_shared>> -> memref<128x128xf32, #tpu.memory_space<vmem_shared>>
        %dma_start3A_50 = arith.constant 0 : i32
        %dma_start3A_51 = tpu.memref_slice %arg9[%add3A_46, %dma_start3A_50] : memref<10240x128xf32, #tpu.memory_space<vmem_shared>> -> memref<128x128xf32, #tpu.memory_space<vmem_shared>>
        tpu.enqueue_dma source(%arg8 : memref<128x128xf32, #tpu.memory_space<vmem>>) target(%dma_start3A_51 : memref<128x128xf32, #tpu.memory_space<vmem_shared>>) target_semaphore(%run_scoped3A_47 : memref<!tpu.dma_semaphore, #tpu.memory_space<semaphore_mem>>)
        %dma_wait3A = arith.constant 0 : i32
        %dma_wait3A_52 = tpu.memref_slice %arg9[%add3A_46, %dma_wait3A] : memref<10240x128xf32, #tpu.memory_space<vmem_shared>> -> memref<128x128xf32, #tpu.memory_space<vmem_shared>>
        %dma_wait3A_53 = arith.constant 0 : i32
        %dma_wait3A_54 = tpu.memref_slice %arg9[%add3A_46, %dma_wait3A_53] : memref<10240x128xf32, #tpu.memory_space<vmem_shared>> -> memref<128x128xf32, #tpu.memory_space<vmem_shared>>
        tpu.wait_dma2 semaphore(%run_scoped3A_47 : memref<!tpu.dma_semaphore, #tpu.memory_space<semaphore_mem>>) src(%arg8 : memref<128x128xf32, #tpu.memory_space<vmem>>) dst(%dma_wait3A_54 : memref<128x128xf32, #tpu.memory_space<vmem_shared>>)
        tpu.yield
      }) : () -> ()
    }
    %scan3A_11 = arith.constant 5 : i32
    %barrier3A = arith.constant 0 : index
    tpu.barrier barrier_id(%barrier3A)
    %run_scoped3A = arith.constant 0 : i32
    "tpu.region"() ({
      %run_scoped3A_39 = tpu.sem_alloc : memref<!tpu.dma_semaphore, #tpu.memory_space<semaphore_mem>>
      %dma_start3A_40 = arith.constant 0 : i32
      %dma_start3A_41 = arith.constant 0 : i32
      %dma_start3A_42 = tpu.memref_slice %arg3[%run_scoped3A, %add3A, %dma_start3A_40, %dma_start3A_41] : memref<2x32x80x128xi32, #tpu.memory_space<hbm>> -> memref<1x1x40x128xi32, #tpu.memory_space<hbm>>
      %dma_start3A_43 = tpu.memref_squeeze %dma_start3A_42 : memref<1x1x40x128xi32, #tpu.memory_space<hbm>> -> memref<40x128xi32, #tpu.memory_space<hbm>>
      %dma_start3A_44 = arith.constant 0 : i32
      %dma_start3A_45 = arith.constant 0 : i32
      %dma_start3A_46 = tpu.memref_slice %arg3[%run_scoped3A, %add3A, %dma_start3A_44, %dma_start3A_45] : memref<2x32x80x128xi32, #tpu.memory_space<hbm>> -> memref<1x1x40x128xi32, #tpu.memory_space<hbm>>
      %dma_start3A_47 = tpu.memref_squeeze %dma_start3A_46 : memref<1x1x40x128xi32, #tpu.memory_space<hbm>> -> memref<40x128xi32, #tpu.memory_space<hbm>>
      tpu.enqueue_dma source(%dma_start3A_47 : memref<40x128xi32, #tpu.memory_space<hbm>>) target(%arg5 : memref<40x128xi32, #tpu.memory_space<vmem>>) target_semaphore(%run_scoped3A_39 : memref<!tpu.dma_semaphore, #tpu.memory_space<semaphore_mem>>)
      %dma_wait3A = arith.constant 0 : i32
      %dma_wait3A_48 = arith.constant 0 : i32
      %dma_wait3A_49 = tpu.memref_slice %arg3[%run_scoped3A, %add3A, %dma_wait3A, %dma_wait3A_48] : memref<2x32x80x128xi32, #tpu.memory_space<hbm>> -> memref<1x1x40x128xi32, #tpu.memory_space<hbm>>
      %dma_wait3A_50 = tpu.memref_squeeze %dma_wait3A_49 : memref<1x1x40x128xi32, #tpu.memory_space<hbm>> -> memref<40x128xi32, #tpu.memory_space<hbm>>
      %dma_wait3A_51 = arith.constant 0 : i32
      %dma_wait3A_52 = arith.constant 0 : i32
      %dma_wait3A_53 = tpu.memref_slice %arg3[%run_scoped3A, %add3A, %dma_wait3A_51, %dma_wait3A_52] : memref<2x32x80x128xi32, #tpu.memory_space<hbm>> -> memref<1x1x40x128xi32, #tpu.memory_space<hbm>>
      %dma_wait3A_54 = tpu.memref_squeeze %dma_wait3A_53 : memref<1x1x40x128xi32, #tpu.memory_space<hbm>> -> memref<40x128xi32, #tpu.memory_space<hbm>>
      tpu.wait_dma2 semaphore(%run_scoped3A_39 : memref<!tpu.dma_semaphore, #tpu.memory_space<semaphore_mem>>) src(%dma_wait3A_54 : memref<40x128xi32, #tpu.memory_space<hbm>>) dst(%arg5 : memref<40x128xi32, #tpu.memory_space<vmem>>)
      tpu.yield
    }) : () -> ()
    %run_scoped3A_12 = arith.constant 1 : i32
    "tpu.region"() ({
      %run_scoped3A_39 = tpu.sem_alloc : memref<!tpu.dma_semaphore, #tpu.memory_space<semaphore_mem>>
      %dma_start3A_40 = arith.constant 0 : i32
      %dma_start3A_41 = arith.constant 0 : i32
      %dma_start3A_42 = tpu.memref_slice %arg3[%run_scoped3A_12, %add3A, %dma_start3A_40, %dma_start3A_41] : memref<2x32x80x128xi32, #tpu.memory_space<hbm>> -> memref<1x1x40x128xi32, #tpu.memory_space<hbm>>
      %dma_start3A_43 = tpu.memref_squeeze %dma_start3A_42 : memref<1x1x40x128xi32, #tpu.memory_space<hbm>> -> memref<40x128xi32, #tpu.memory_space<hbm>>
      %dma_start3A_44 = arith.constant 0 : i32
      %dma_start3A_45 = arith.constant 0 : i32
      %dma_start3A_46 = tpu.memref_slice %arg3[%run_scoped3A_12, %add3A, %dma_start3A_44, %dma_start3A_45] : memref<2x32x80x128xi32, #tpu.memory_space<hbm>> -> memref<1x1x40x128xi32, #tpu.memory_space<hbm>>
      %dma_start3A_47 = tpu.memref_squeeze %dma_start3A_46 : memref<1x1x40x128xi32, #tpu.memory_space<hbm>> -> memref<40x128xi32, #tpu.memory_space<hbm>>
      tpu.enqueue_dma source(%dma_start3A_47 : memref<40x128xi32, #tpu.memory_space<hbm>>) target(%arg6 : memref<40x128xi32, #tpu.memory_space<vmem>>) target_semaphore(%run_scoped3A_39 : memref<!tpu.dma_semaphore, #tpu.memory_space<semaphore_mem>>)
      %dma_wait3A = arith.constant 0 : i32
      %dma_wait3A_48 = arith.constant 0 : i32
      %dma_wait3A_49 = tpu.memref_slice %arg3[%run_scoped3A_12, %add3A, %dma_wait3A, %dma_wait3A_48] : memref<2x32x80x128xi32, #tpu.memory_space<hbm>> -> memref<1x1x40x128xi32, #tpu.memory_space<hbm>>
      %dma_wait3A_50 = tpu.memref_squeeze %dma_wait3A_49 : memref<1x1x40x128xi32, #tpu.memory_space<hbm>> -> memref<40x128xi32, #tpu.memory_space<hbm>>
      %dma_wait3A_51 = arith.constant 0 : i32
      %dma_wait3A_52 = arith.constant 0 : i32
      %dma_wait3A_53 = tpu.memref_slice %arg3[%run_scoped3A_12, %add3A, %dma_wait3A_51, %dma_wait3A_52] : memref<2x32x80x128xi32, #tpu.memory_space<hbm>> -> memref<1x1x40x128xi32, #tpu.memory_space<hbm>>
      %dma_wait3A_54 = tpu.memref_squeeze %dma_wait3A_53 : memref<1x1x40x128xi32, #tpu.memory_space<hbm>> -> memref<40x128xi32, #tpu.memory_space<hbm>>
      tpu.wait_dma2 semaphore(%run_scoped3A_39 : memref<!tpu.dma_semaphore, #tpu.memory_space<semaphore_mem>>) src(%dma_wait3A_54 : memref<40x128xi32, #tpu.memory_space<hbm>>) dst(%arg6 : memref<40x128xi32, #tpu.memory_space<vmem>>)
      tpu.yield
    }) : () -> ()
    %dma_start3A = arith.constant 0 : i32
    %dma_start3A_13 = arith.constant 0 : i32
    %dma_start3A_14 = tpu.memref_slice %arg5[%dma_start3A, %dma_start3A_13] : memref<40x128xi32, #tpu.memory_space<vmem>> -> memref<1x128xi32, #tpu.memory_space<vmem>>
    %dma_start3A_15 = tpu.memref_squeeze %dma_start3A_14 : memref<1x128xi32, #tpu.memory_space<vmem>> -> memref<128xi32, #tpu.memory_space<vmem>>
    %dma_start3A_16 = arith.constant 0 : i32
    %dma_start3A_17 = arith.constant 0 : i32
    %dma_start3A_18 = tpu.memref_slice %arg2[%dma_start3A_16, %dma_start3A_17] : memref<10000x128xf32, #tpu.memory_space<hbm>> -> memref<10000x128xf32, #tpu.memory_space<hbm>>
    tpu.enqueue_indirect_dma source(%dma_start3A_18 : memref<10000x128xf32, #tpu.memory_space<hbm>>) target(%arg7 : memref<128x128xf32, #tpu.memory_space<vmem>>) offsets(%dma_start3A_15 : memref<128xi32, #tpu.memory_space<vmem>>) semaphore(%arg10 : memref<!tpu.dma_semaphore, #tpu.memory_space<semaphore_mem>>)
    %scan3A_19 = arith.constant 0 : i32
    %scan3A_20 = arith.constant 20 : i32
    %scan3A_21 = arith.addi %scan3A_19, %scan3A_20 : i32
    %scan3A_22 = arith.constant 1 : i32
    scf.for %scan3A_39 = %scan3A_19 to %scan3A_21 step %scan3A_22  : i32 {
      %mul3A_40 = arith.constant 2 : i32
      %mul3A_41 = arith.muli %scan3A_39, %mul3A_40 : i32
      %add3A_42 = arith.constant 0 : i32
      %add3A_43 = arith.addi %add3A_42, %mul3A_41 : i32
      %add3A_44 = arith.constant 1 : i32
      %add3A_45 = arith.addi %add3A_43, %add3A_44 : i32
      %dma_start3A_46 = arith.constant 0 : i32
      %dma_start3A_47 = tpu.memref_slice %arg5[%add3A_45, %dma_start3A_46] : memref<40x128xi32, #tpu.memory_space<vmem>> -> memref<1x128xi32, #tpu.memory_space<vmem>>
      %dma_start3A_48 = tpu.memref_squeeze %dma_start3A_47 : memref<1x128xi32, #tpu.memory_space<vmem>> -> memref<128xi32, #tpu.memory_space<vmem>>
      %dma_start3A_49 = arith.constant 0 : i32
      %dma_start3A_50 = arith.constant 0 : i32
      %dma_start3A_51 = tpu.memref_slice %arg2[%dma_start3A_49, %dma_start3A_50] : memref<10000x128xf32, #tpu.memory_space<hbm>> -> memref<10000x128xf32, #tpu.memory_space<hbm>>
      tpu.enqueue_indirect_dma source(%dma_start3A_51 : memref<10000x128xf32, #tpu.memory_space<hbm>>) target(%arg8 : memref<128x128xf32, #tpu.memory_space<vmem>>) offsets(%dma_start3A_48 : memref<128xi32, #tpu.memory_space<vmem>>) semaphore(%arg11 : memref<!tpu.dma_semaphore, #tpu.memory_space<semaphore_mem>>)
      %dma_wait3A = arith.constant 0 : i32
      %dma_wait3A_52 = tpu.memref_slice %arg5[%add3A_43, %dma_wait3A] : memref<40x128xi32, #tpu.memory_space<vmem>> -> memref<1x128xi32, #tpu.memory_space<vmem>>
      %dma_wait3A_53 = tpu.memref_squeeze %dma_wait3A_52 : memref<1x128xi32, #tpu.memory_space<vmem>> -> memref<128xi32, #tpu.memory_space<vmem>>
      %dma_wait3A_54 = arith.constant 0 : i32
      %dma_wait3A_55 = arith.constant 0 : i32
      %dma_wait3A_56 = tpu.memref_slice %arg2[%dma_wait3A_54, %dma_wait3A_55] : memref<10000x128xf32, #tpu.memory_space<hbm>> -> memref<10000x128xf32, #tpu.memory_space<hbm>>
      tpu.wait_indirect_dma semaphore(%arg10 : memref<!tpu.dma_semaphore, #tpu.memory_space<semaphore_mem>>) src(%dma_wait3A_56 : memref<10000x128xf32, #tpu.memory_space<hbm>>) dst(%arg7 : memref<128x128xf32, #tpu.memory_space<vmem>>)
      "tpu.region"() ({
        %run_scoped3A_71 = tpu.sem_alloc : memref<!tpu.dma_semaphore, #tpu.memory_space<semaphore_mem>>
        %dma_start3A_72 = arith.constant 0 : i32
        %dma_start3A_73 = tpu.memref_slice %arg6[%add3A_43, %dma_start3A_72] : memref<40x128xi32, #tpu.memory_space<vmem>> -> memref<1x128xi32, #tpu.memory_space<vmem>>
        %dma_start3A_74 = tpu.memref_squeeze %dma_start3A_73 : memref<1x128xi32, #tpu.memory_space<vmem>> -> memref<128xi32, #tpu.memory_space<vmem>>
        %dma_start3A_75 = arith.constant 0 : i32
        %dma_start3A_76 = arith.constant 0 : i32
        %dma_start3A_77 = tpu.memref_slice %arg9[%dma_start3A_75, %dma_start3A_76] : memref<10240x128xf32, #tpu.memory_space<vmem_shared>> -> memref<10240x128xf32, #tpu.memory_space<vmem_shared>>
        tpu.enqueue_indirect_dma source(%arg7 : memref<128x128xf32, #tpu.memory_space<vmem>>) target(%dma_start3A_77 : memref<10240x128xf32, #tpu.memory_space<vmem_shared>>) offsets(%dma_start3A_74 : memref<128xi32, #tpu.memory_space<vmem>>) semaphore(%run_scoped3A_71 : memref<!tpu.dma_semaphore, #tpu.memory_space<semaphore_mem>>) {add = true}
        %dma_wait3A_78 = arith.constant 0 : i32
        %dma_wait3A_79 = tpu.memref_slice %arg6[%add3A_43, %dma_wait3A_78] : memref<40x128xi32, #tpu.memory_space<vmem>> -> memref<1x128xi32, #tpu.memory_space<vmem>>
        %dma_wait3A_80 = tpu.memref_squeeze %dma_wait3A_79 : memref<1x128xi32, #tpu.memory_space<vmem>> -> memref<128xi32, #tpu.memory_space<vmem>>
        %dma_wait3A_81 = arith.constant 0 : i32
        %dma_wait3A_82 = arith.constant 0 : i32
        %dma_wait3A_83 = tpu.memref_slice %arg9[%dma_wait3A_81, %dma_wait3A_82] : memref<10240x128xf32, #tpu.memory_space<vmem_shared>> -> memref<10240x128xf32, #tpu.memory_space<vmem_shared>>
        tpu.wait_indirect_dma semaphore(%run_scoped3A_71 : memref<!tpu.dma_semaphore, #tpu.memory_space<semaphore_mem>>) src(%arg7 : memref<128x128xf32, #tpu.memory_space<vmem>>) dst(%dma_wait3A_83 : memref<10240x128xf32, #tpu.memory_space<vmem_shared>>)
        tpu.yield
      }) : () -> ()
      %add3A_57 = arith.constant 2 : i32
      %add3A_58 = arith.addi %add3A_43, %add3A_57 : i32
      %lt3A = arith.constant 40 : i32
      %lt3A_59 = arith.cmpi slt, %add3A_58, %lt3A : i32
      %convert_element_type3A = arith.extui %lt3A_59 : i1 to i32
      %cond3A = arith.constant 0 : i32
      %cond3A_60 = arith.cmpi ne, %convert_element_type3A, %cond3A : i32
      scf.if %cond3A_60 {
        %add3A_71 = arith.constant 2 : i32
        %add3A_72 = arith.addi %add3A_43, %add3A_71 : i32
        %dma_start3A_73 = arith.constant 0 : i32
        %dma_start3A_74 = tpu.memref_slice %arg5[%add3A_72, %dma_start3A_73] : memref<40x128xi32, #tpu.memory_space<vmem>> -> memref<1x128xi32, #tpu.memory_space<vmem>>
        %dma_start3A_75 = tpu.memref_squeeze %dma_start3A_74 : memref<1x128xi32, #tpu.memory_space<vmem>> -> memref<128xi32, #tpu.memory_space<vmem>>
        %dma_start3A_76 = arith.constant 0 : i32
        %dma_start3A_77 = arith.constant 0 : i32
        %dma_start3A_78 = tpu.memref_slice %arg2[%dma_start3A_76, %dma_start3A_77] : memref<10000x128xf32, #tpu.memory_space<hbm>> -> memref<10000x128xf32, #tpu.memory_space<hbm>>
        tpu.enqueue_indirect_dma source(%dma_start3A_78 : memref<10000x128xf32, #tpu.memory_space<hbm>>) target(%arg7 : memref<128x128xf32, #tpu.memory_space<vmem>>) offsets(%dma_start3A_75 : memref<128xi32, #tpu.memory_space<vmem>>) semaphore(%arg10 : memref<!tpu.dma_semaphore, #tpu.memory_space<semaphore_mem>>)
      } else {
      }
      %add3A_61 = arith.constant 1 : i32
      %add3A_62 = arith.addi %add3A_43, %add3A_61 : i32
      %dma_wait3A_63 = arith.constant 0 : i32
      %dma_wait3A_64 = tpu.memref_slice %arg5[%add3A_62, %dma_wait3A_63] : memref<40x128xi32, #tpu.memory_space<vmem>> -> memref<1x128xi32, #tpu.memory_space<vmem>>
      %dma_wait3A_65 = tpu.memref_squeeze %dma_wait3A_64 : memref<1x128xi32, #tpu.memory_space<vmem>> -> memref<128xi32, #tpu.memory_space<vmem>>
      %dma_wait3A_66 = arith.constant 0 : i32
      %dma_wait3A_67 = arith.constant 0 : i32
      %dma_wait3A_68 = tpu.memref_slice %arg2[%dma_wait3A_66, %dma_wait3A_67] : memref<10000x128xf32, #tpu.memory_space<hbm>> -> memref<10000x128xf32, #tpu.memory_space<hbm>>
      tpu.wait_indirect_dma semaphore(%arg11 : memref<!tpu.dma_semaphore, #tpu.memory_space<semaphore_mem>>) src(%dma_wait3A_68 : memref<10000x128xf32, #tpu.memory_space<hbm>>) dst(%arg8 : memref<128x128xf32, #tpu.memory_space<vmem>>)
      %add3A_69 = arith.constant 1 : i32
      %add3A_70 = arith.addi %add3A_43, %add3A_69 : i32
      "tpu.region"() ({
        %run_scoped3A_71 = tpu.sem_alloc : memref<!tpu.dma_semaphore, #tpu.memory_space<semaphore_mem>>
        %dma_start3A_72 = arith.constant 0 : i32
        %dma_start3A_73 = tpu.memref_slice %arg6[%add3A_70, %dma_start3A_72] : memref<40x128xi32, #tpu.memory_space<vmem>> -> memref<1x128xi32, #tpu.memory_space<vmem>>
        %dma_start3A_74 = tpu.memref_squeeze %dma_start3A_73 : memref<1x128xi32, #tpu.memory_space<vmem>> -> memref<128xi32, #tpu.memory_space<vmem>>
        %dma_start3A_75 = arith.constant 0 : i32
        %dma_start3A_76 = arith.constant 0 : i32
        %dma_start3A_77 = tpu.memref_slice %arg9[%dma_start3A_75, %dma_start3A_76] : memref<10240x128xf32, #tpu.memory_space<vmem_shared>> -> memref<10240x128xf32, #tpu.memory_space<vmem_shared>>
        tpu.enqueue_indirect_dma source(%arg8 : memref<128x128xf32, #tpu.memory_space<vmem>>) target(%dma_start3A_77 : memref<10240x128xf32, #tpu.memory_space<vmem_shared>>) offsets(%dma_start3A_74 : memref<128xi32, #tpu.memory_space<vmem>>) semaphore(%run_scoped3A_71 : memref<!tpu.dma_semaphore, #tpu.memory_space<semaphore_mem>>) {add = true}
        %dma_wait3A_78 = arith.constant 0 : i32
        %dma_wait3A_79 = tpu.memref_slice %arg6[%add3A_70, %dma_wait3A_78] : memref<40x128xi32, #tpu.memory_space<vmem>> -> memref<1x128xi32, #tpu.memory_space<vmem>>
        %dma_wait3A_80 = tpu.memref_squeeze %dma_wait3A_79 : memref<1x128xi32, #tpu.memory_space<vmem>> -> memref<128xi32, #tpu.memory_space<vmem>>
        %dma_wait3A_81 = arith.constant 0 : i32
        %dma_wait3A_82 = arith.constant 0 : i32
        %dma_wait3A_83 = tpu.memref_slice %arg9[%dma_wait3A_81, %dma_wait3A_82] : memref<10240x128xf32, #tpu.memory_space<vmem_shared>> -> memref<10240x128xf32, #tpu.memory_space<vmem_shared>>
        tpu.wait_indirect_dma semaphore(%run_scoped3A_71 : memref<!tpu.dma_semaphore, #tpu.memory_space<semaphore_mem>>) src(%arg8 : memref<128x128xf32, #tpu.memory_space<vmem>>) dst(%dma_wait3A_83 : memref<10240x128xf32, #tpu.memory_space<vmem_shared>>)
        tpu.yield
      }) : () -> ()
    }
    %scan3A_23 = arith.constant 20 : i32
    %run_scoped3A_24 = arith.constant 0 : i32
    "tpu.region"() ({
      %run_scoped3A_39 = tpu.sem_alloc : memref<!tpu.dma_semaphore, #tpu.memory_space<semaphore_mem>>
      %dma_start3A_40 = arith.constant 40 : i32
      %dma_start3A_41 = arith.constant 0 : i32
      %dma_start3A_42 = tpu.memref_slice %arg3[%run_scoped3A_24, %add3A, %dma_start3A_40, %dma_start3A_41] : memref<2x32x80x128xi32, #tpu.memory_space<hbm>> -> memref<1x1x40x128xi32, #tpu.memory_space<hbm>>
      %dma_start3A_43 = tpu.memref_squeeze %dma_start3A_42 : memref<1x1x40x128xi32, #tpu.memory_space<hbm>> -> memref<40x128xi32, #tpu.memory_space<hbm>>
      %dma_start3A_44 = arith.constant 40 : i32
      %dma_start3A_45 = arith.constant 0 : i32
      %dma_start3A_46 = tpu.memref_slice %arg3[%run_scoped3A_24, %add3A, %dma_start3A_44, %dma_start3A_45] : memref<2x32x80x128xi32, #tpu.memory_space<hbm>> -> memref<1x1x40x128xi32, #tpu.memory_space<hbm>>
      %dma_start3A_47 = tpu.memref_squeeze %dma_start3A_46 : memref<1x1x40x128xi32, #tpu.memory_space<hbm>> -> memref<40x128xi32, #tpu.memory_space<hbm>>
      tpu.enqueue_dma source(%dma_start3A_47 : memref<40x128xi32, #tpu.memory_space<hbm>>) target(%arg5 : memref<40x128xi32, #tpu.memory_space<vmem>>) target_semaphore(%run_scoped3A_39 : memref<!tpu.dma_semaphore, #tpu.memory_space<semaphore_mem>>)
      %dma_wait3A = arith.constant 40 : i32
      %dma_wait3A_48 = arith.constant 0 : i32
      %dma_wait3A_49 = tpu.memref_slice %arg3[%run_scoped3A_24, %add3A, %dma_wait3A, %dma_wait3A_48] : memref<2x32x80x128xi32, #tpu.memory_space<hbm>> -> memref<1x1x40x128xi32, #tpu.memory_space<hbm>>
      %dma_wait3A_50 = tpu.memref_squeeze %dma_wait3A_49 : memref<1x1x40x128xi32, #tpu.memory_space<hbm>> -> memref<40x128xi32, #tpu.memory_space<hbm>>
      %dma_wait3A_51 = arith.constant 40 : i32
      %dma_wait3A_52 = arith.constant 0 : i32
      %dma_wait3A_53 = tpu.memref_slice %arg3[%run_scoped3A_24, %add3A, %dma_wait3A_51, %dma_wait3A_52] : memref<2x32x80x128xi32, #tpu.memory_space<hbm>> -> memref<1x1x40x128xi32, #tpu.memory_space<hbm>>
      %dma_wait3A_54 = tpu.memref_squeeze %dma_wait3A_53 : memref<1x1x40x128xi32, #tpu.memory_space<hbm>> -> memref<40x128xi32, #tpu.memory_space<hbm>>
      tpu.wait_dma2 semaphore(%run_scoped3A_39 : memref<!tpu.dma_semaphore, #tpu.memory_space<semaphore_mem>>) src(%dma_wait3A_54 : memref<40x128xi32, #tpu.memory_space<hbm>>) dst(%arg5 : memref<40x128xi32, #tpu.memory_space<vmem>>)
      tpu.yield
    }) : () -> ()
    %run_scoped3A_25 = arith.constant 1 : i32
    "tpu.region"() ({
      %run_scoped3A_39 = tpu.sem_alloc : memref<!tpu.dma_semaphore, #tpu.memory_space<semaphore_mem>>
      %dma_start3A_40 = arith.constant 40 : i32
      %dma_start3A_41 = arith.constant 0 : i32
      %dma_start3A_42 = tpu.memref_slice %arg3[%run_scoped3A_25, %add3A, %dma_start3A_40, %dma_start3A_41] : memref<2x32x80x128xi32, #tpu.memory_space<hbm>> -> memref<1x1x40x128xi32, #tpu.memory_space<hbm>>
      %dma_start3A_43 = tpu.memref_squeeze %dma_start3A_42 : memref<1x1x40x128xi32, #tpu.memory_space<hbm>> -> memref<40x128xi32, #tpu.memory_space<hbm>>
      %dma_start3A_44 = arith.constant 40 : i32
      %dma_start3A_45 = arith.constant 0 : i32
      %dma_start3A_46 = tpu.memref_slice %arg3[%run_scoped3A_25, %add3A, %dma_start3A_44, %dma_start3A_45] : memref<2x32x80x128xi32, #tpu.memory_space<hbm>> -> memref<1x1x40x128xi32, #tpu.memory_space<hbm>>
      %dma_start3A_47 = tpu.memref_squeeze %dma_start3A_46 : memref<1x1x40x128xi32, #tpu.memory_space<hbm>> -> memref<40x128xi32, #tpu.memory_space<hbm>>
      tpu.enqueue_dma source(%dma_start3A_47 : memref<40x128xi32, #tpu.memory_space<hbm>>) target(%arg6 : memref<40x128xi32, #tpu.memory_space<vmem>>) target_semaphore(%run_scoped3A_39 : memref<!tpu.dma_semaphore, #tpu.memory_space<semaphore_mem>>)
      %dma_wait3A = arith.constant 40 : i32
      %dma_wait3A_48 = arith.constant 0 : i32
      %dma_wait3A_49 = tpu.memref_slice %arg3[%run_scoped3A_25, %add3A, %dma_wait3A, %dma_wait3A_48] : memref<2x32x80x128xi32, #tpu.memory_space<hbm>> -> memref<1x1x40x128xi32, #tpu.memory_space<hbm>>
      %dma_wait3A_50 = tpu.memref_squeeze %dma_wait3A_49 : memref<1x1x40x128xi32, #tpu.memory_space<hbm>> -> memref<40x128xi32, #tpu.memory_space<hbm>>
      %dma_wait3A_51 = arith.constant 40 : i32
      %dma_wait3A_52 = arith.constant 0 : i32
      %dma_wait3A_53 = tpu.memref_slice %arg3[%run_scoped3A_25, %add3A, %dma_wait3A_51, %dma_wait3A_52] : memref<2x32x80x128xi32, #tpu.memory_space<hbm>> -> memref<1x1x40x128xi32, #tpu.memory_space<hbm>>
      %dma_wait3A_54 = tpu.memref_squeeze %dma_wait3A_53 : memref<1x1x40x128xi32, #tpu.memory_space<hbm>> -> memref<40x128xi32, #tpu.memory_space<hbm>>
      tpu.wait_dma2 semaphore(%run_scoped3A_39 : memref<!tpu.dma_semaphore, #tpu.memory_space<semaphore_mem>>) src(%dma_wait3A_54 : memref<40x128xi32, #tpu.memory_space<hbm>>) dst(%arg6 : memref<40x128xi32, #tpu.memory_space<vmem>>)
      tpu.yield
    }) : () -> ()
    %dma_start3A_26 = arith.constant 0 : i32
    %dma_start3A_27 = arith.constant 0 : i32
    %dma_start3A_28 = tpu.memref_slice %arg5[%dma_start3A_26, %dma_start3A_27] : memref<40x128xi32, #tpu.memory_space<vmem>> -> memref<1x128xi32, #tpu.memory_space<vmem>>
    %dma_start3A_29 = tpu.memref_squeeze %dma_start3A_28 : memref<1x128xi32, #tpu.memory_space<vmem>> -> memref<128xi32, #tpu.memory_space<vmem>>
    %dma_start3A_30 = arith.constant 0 : i32
    %dma_start3A_31 = arith.constant 0 : i32
    %dma_start3A_32 = tpu.memref_slice %arg2[%dma_start3A_30, %dma_start3A_31] : memref<10000x128xf32, #tpu.memory_space<hbm>> -> memref<10000x128xf32, #tpu.memory_space<hbm>>
    tpu.enqueue_indirect_dma source(%dma_start3A_32 : memref<10000x128xf32, #tpu.memory_space<hbm>>) target(%arg7 : memref<128x128xf32, #tpu.memory_space<vmem>>) offsets(%dma_start3A_29 : memref<128xi32, #tpu.memory_space<vmem>>) semaphore(%arg10 : memref<!tpu.dma_semaphore, #tpu.memory_space<semaphore_mem>>)
    %scan3A_33 = arith.constant 0 : i32
    %scan3A_34 = arith.constant 20 : i32
    %scan3A_35 = arith.addi %scan3A_33, %scan3A_34 : i32
    %scan3A_36 = arith.constant 1 : i32
    scf.for %scan3A_39 = %scan3A_33 to %scan3A_35 step %scan3A_36  : i32 {
      %mul3A_40 = arith.constant 2 : i32
      %mul3A_41 = arith.muli %scan3A_39, %mul3A_40 : i32
      %add3A_42 = arith.constant 0 : i32
      %add3A_43 = arith.addi %add3A_42, %mul3A_41 : i32
      %add3A_44 = arith.constant 1 : i32
      %add3A_45 = arith.addi %add3A_43, %add3A_44 : i32
      %dma_start3A_46 = arith.constant 0 : i32
      %dma_start3A_47 = tpu.memref_slice %arg5[%add3A_45, %dma_start3A_46] : memref<40x128xi32, #tpu.memory_space<vmem>> -> memref<1x128xi32, #tpu.memory_space<vmem>>
      %dma_start3A_48 = tpu.memref_squeeze %dma_start3A_47 : memref<1x128xi32, #tpu.memory_space<vmem>> -> memref<128xi32, #tpu.memory_space<vmem>>
      %dma_start3A_49 = arith.constant 0 : i32
      %dma_start3A_50 = arith.constant 0 : i32
      %dma_start3A_51 = tpu.memref_slice %arg2[%dma_start3A_49, %dma_start3A_50] : memref<10000x128xf32, #tpu.memory_space<hbm>> -> memref<10000x128xf32, #tpu.memory_space<hbm>>
      tpu.enqueue_indirect_dma source(%dma_start3A_51 : memref<10000x128xf32, #tpu.memory_space<hbm>>) target(%arg8 : memref<128x128xf32, #tpu.memory_space<vmem>>) offsets(%dma_start3A_48 : memref<128xi32, #tpu.memory_space<vmem>>) semaphore(%arg11 : memref<!tpu.dma_semaphore, #tpu.memory_space<semaphore_mem>>)
      %dma_wait3A = arith.constant 0 : i32
      %dma_wait3A_52 = tpu.memref_slice %arg5[%add3A_43, %dma_wait3A] : memref<40x128xi32, #tpu.memory_space<vmem>> -> memref<1x128xi32, #tpu.memory_space<vmem>>
      %dma_wait3A_53 = tpu.memref_squeeze %dma_wait3A_52 : memref<1x128xi32, #tpu.memory_space<vmem>> -> memref<128xi32, #tpu.memory_space<vmem>>
      %dma_wait3A_54 = arith.constant 0 : i32
      %dma_wait3A_55 = arith.constant 0 : i32
      %dma_wait3A_56 = tpu.memref_slice %arg2[%dma_wait3A_54, %dma_wait3A_55] : memref<10000x128xf32, #tpu.memory_space<hbm>> -> memref<10000x128xf32, #tpu.memory_space<hbm>>
      tpu.wait_indirect_dma semaphore(%arg10 : memref<!tpu.dma_semaphore, #tpu.memory_space<semaphore_mem>>) src(%dma_wait3A_56 : memref<10000x128xf32, #tpu.memory_space<hbm>>) dst(%arg7 : memref<128x128xf32, #tpu.memory_space<vmem>>)
      "tpu.region"() ({
        %run_scoped3A_71 = tpu.sem_alloc : memref<!tpu.dma_semaphore, #tpu.memory_space<semaphore_mem>>
        %dma_start3A_72 = arith.constant 0 : i32
        %dma_start3A_73 = tpu.memref_slice %arg6[%add3A_43, %dma_start3A_72] : memref<40x128xi32, #tpu.memory_space<vmem>> -> memref<1x128xi32, #tpu.memory_space<vmem>>
        %dma_start3A_74 = tpu.memref_squeeze %dma_start3A_73 : memref<1x128xi32, #tpu.memory_space<vmem>> -> memref<128xi32, #tpu.memory_space<vmem>>
        %dma_start3A_75 = arith.constant 0 : i32
        %dma_start3A_76 = arith.constant 0 : i32
        %dma_start3A_77 = tpu.memref_slice %arg9[%dma_start3A_75, %dma_start3A_76] : memref<10240x128xf32, #tpu.memory_space<vmem_shared>> -> memref<10240x128xf32, #tpu.memory_space<vmem_shared>>
        tpu.enqueue_indirect_dma source(%arg7 : memref<128x128xf32, #tpu.memory_space<vmem>>) target(%dma_start3A_77 : memref<10240x128xf32, #tpu.memory_space<vmem_shared>>) offsets(%dma_start3A_74 : memref<128xi32, #tpu.memory_space<vmem>>) semaphore(%run_scoped3A_71 : memref<!tpu.dma_semaphore, #tpu.memory_space<semaphore_mem>>) {add = true}
        %dma_wait3A_78 = arith.constant 0 : i32
        %dma_wait3A_79 = tpu.memref_slice %arg6[%add3A_43, %dma_wait3A_78] : memref<40x128xi32, #tpu.memory_space<vmem>> -> memref<1x128xi32, #tpu.memory_space<vmem>>
        %dma_wait3A_80 = tpu.memref_squeeze %dma_wait3A_79 : memref<1x128xi32, #tpu.memory_space<vmem>> -> memref<128xi32, #tpu.memory_space<vmem>>
        %dma_wait3A_81 = arith.constant 0 : i32
        %dma_wait3A_82 = arith.constant 0 : i32
        %dma_wait3A_83 = tpu.memref_slice %arg9[%dma_wait3A_81, %dma_wait3A_82] : memref<10240x128xf32, #tpu.memory_space<vmem_shared>> -> memref<10240x128xf32, #tpu.memory_space<vmem_shared>>
        tpu.wait_indirect_dma semaphore(%run_scoped3A_71 : memref<!tpu.dma_semaphore, #tpu.memory_space<semaphore_mem>>) src(%arg7 : memref<128x128xf32, #tpu.memory_space<vmem>>) dst(%dma_wait3A_83 : memref<10240x128xf32, #tpu.memory_space<vmem_shared>>)
        tpu.yield
      }) : () -> ()
      %add3A_57 = arith.constant 2 : i32
      %add3A_58 = arith.addi %add3A_43, %add3A_57 : i32
      %lt3A = arith.constant 40 : i32
      %lt3A_59 = arith.cmpi slt, %add3A_58, %lt3A : i32
      %convert_element_type3A = arith.extui %lt3A_59 : i1 to i32
      %cond3A = arith.constant 0 : i32
      %cond3A_60 = arith.cmpi ne, %convert_element_type3A, %cond3A : i32
      scf.if %cond3A_60 {
        %add3A_71 = arith.constant 2 : i32
        %add3A_72 = arith.addi %add3A_43, %add3A_71 : i32
        %dma_start3A_73 = arith.constant 0 : i32
        %dma_start3A_74 = tpu.memref_slice %arg5[%add3A_72, %dma_start3A_73] : memref<40x128xi32, #tpu.memory_space<vmem>> -> memref<1x128xi32, #tpu.memory_space<vmem>>
        %dma_start3A_75 = tpu.memref_squeeze %dma_start3A_74 : memref<1x128xi32, #tpu.memory_space<vmem>> -> memref<128xi32, #tpu.memory_space<vmem>>
        %dma_start3A_76 = arith.constant 0 : i32
        %dma_start3A_77 = arith.constant 0 : i32
        %dma_start3A_78 = tpu.memref_slice %arg2[%dma_start3A_76, %dma_start3A_77] : memref<10000x128xf32, #tpu.memory_space<hbm>> -> memref<10000x128xf32, #tpu.memory_space<hbm>>
        tpu.enqueue_indirect_dma source(%dma_start3A_78 : memref<10000x128xf32, #tpu.memory_space<hbm>>) target(%arg7 : memref<128x128xf32, #tpu.memory_space<vmem>>) offsets(%dma_start3A_75 : memref<128xi32, #tpu.memory_space<vmem>>) semaphore(%arg10 : memref<!tpu.dma_semaphore, #tpu.memory_space<semaphore_mem>>)
      } else {
      }
      %add3A_61 = arith.constant 1 : i32
      %add3A_62 = arith.addi %add3A_43, %add3A_61 : i32
      %dma_wait3A_63 = arith.constant 0 : i32
      %dma_wait3A_64 = tpu.memref_slice %arg5[%add3A_62, %dma_wait3A_63] : memref<40x128xi32, #tpu.memory_space<vmem>> -> memref<1x128xi32, #tpu.memory_space<vmem>>
      %dma_wait3A_65 = tpu.memref_squeeze %dma_wait3A_64 : memref<1x128xi32, #tpu.memory_space<vmem>> -> memref<128xi32, #tpu.memory_space<vmem>>
      %dma_wait3A_66 = arith.constant 0 : i32
      %dma_wait3A_67 = arith.constant 0 : i32
      %dma_wait3A_68 = tpu.memref_slice %arg2[%dma_wait3A_66, %dma_wait3A_67] : memref<10000x128xf32, #tpu.memory_space<hbm>> -> memref<10000x128xf32, #tpu.memory_space<hbm>>
      tpu.wait_indirect_dma semaphore(%arg11 : memref<!tpu.dma_semaphore, #tpu.memory_space<semaphore_mem>>) src(%dma_wait3A_68 : memref<10000x128xf32, #tpu.memory_space<hbm>>) dst(%arg8 : memref<128x128xf32, #tpu.memory_space<vmem>>)
      %add3A_69 = arith.constant 1 : i32
      %add3A_70 = arith.addi %add3A_43, %add3A_69 : i32
      "tpu.region"() ({
        %run_scoped3A_71 = tpu.sem_alloc : memref<!tpu.dma_semaphore, #tpu.memory_space<semaphore_mem>>
        %dma_start3A_72 = arith.constant 0 : i32
        %dma_start3A_73 = tpu.memref_slice %arg6[%add3A_70, %dma_start3A_72] : memref<40x128xi32, #tpu.memory_space<vmem>> -> memref<1x128xi32, #tpu.memory_space<vmem>>
        %dma_start3A_74 = tpu.memref_squeeze %dma_start3A_73 : memref<1x128xi32, #tpu.memory_space<vmem>> -> memref<128xi32, #tpu.memory_space<vmem>>
        %dma_start3A_75 = arith.constant 0 : i32
        %dma_start3A_76 = arith.constant 0 : i32
        %dma_start3A_77 = tpu.memref_slice %arg9[%dma_start3A_75, %dma_start3A_76] : memref<10240x128xf32, #tpu.memory_space<vmem_shared>> -> memref<10240x128xf32, #tpu.memory_space<vmem_shared>>
        tpu.enqueue_indirect_dma source(%arg8 : memref<128x128xf32, #tpu.memory_space<vmem>>) target(%dma_start3A_77 : memref<10240x128xf32, #tpu.memory_space<vmem_shared>>) offsets(%dma_start3A_74 : memref<128xi32, #tpu.memory_space<vmem>>) semaphore(%run_scoped3A_71 : memref<!tpu.dma_semaphore, #tpu.memory_space<semaphore_mem>>) {add = true}
        %dma_wait3A_78 = arith.constant 0 : i32
        %dma_wait3A_79 = tpu.memref_slice %arg6[%add3A_70, %dma_wait3A_78] : memref<40x128xi32, #tpu.memory_space<vmem>> -> memref<1x128xi32, #tpu.memory_space<vmem>>
        %dma_wait3A_80 = tpu.memref_squeeze %dma_wait3A_79 : memref<1x128xi32, #tpu.memory_space<vmem>> -> memref<128xi32, #tpu.memory_space<vmem>>
        %dma_wait3A_81 = arith.constant 0 : i32
        %dma_wait3A_82 = arith.constant 0 : i32
        %dma_wait3A_83 = tpu.memref_slice %arg9[%dma_wait3A_81, %dma_wait3A_82] : memref<10240x128xf32, #tpu.memory_space<vmem_shared>> -> memref<10240x128xf32, #tpu.memory_space<vmem_shared>>
        tpu.wait_indirect_dma semaphore(%run_scoped3A_71 : memref<!tpu.dma_semaphore, #tpu.memory_space<semaphore_mem>>) src(%arg8 : memref<128x128xf32, #tpu.memory_space<vmem>>) dst(%dma_wait3A_83 : memref<10240x128xf32, #tpu.memory_space<vmem_shared>>)
        tpu.yield
      }) : () -> ()
    }
    %scan3A_37 = arith.constant 20 : i32
    %barrier3A_38 = arith.constant 0 : index
    tpu.barrier barrier_id(%barrier3A_38)
    "tpu.region"() ({
      %run_scoped3A_39 = tpu.sem_alloc : memref<!tpu.dma_semaphore, #tpu.memory_space<semaphore_mem>>
      %dma_start3A_40 = arith.constant 0 : i32
      %dma_start3A_41 = tpu.memref_slice %arg4[%arg0, %mul3A_2, %dma_start3A_40] : memref<2x10240x128xf32, #tpu.memory_space<hbm>> -> memref<1x640x128xf32, #tpu.memory_space<hbm>>
      %dma_start3A_42 = tpu.memref_squeeze %dma_start3A_41 : memref<1x640x128xf32, #tpu.memory_space<hbm>> -> memref<640x128xf32, #tpu.memory_space<hbm>>
      %dma_start3A_43 = arith.constant 0 : i32
      %dma_start3A_44 = tpu.memref_slice %arg9[%mul3A_2, %dma_start3A_43] : memref<10240x128xf32, #tpu.memory_space<vmem_shared>> -> memref<640x128xf32, #tpu.memory_space<vmem_shared>>
      tpu.enqueue_dma source(%dma_start3A_44 : memref<640x128xf32, #tpu.memory_space<vmem_shared>>) target(%dma_start3A_42 : memref<640x128xf32, #tpu.memory_space<hbm>>) target_semaphore(%run_scoped3A_39 : memref<!tpu.dma_semaphore, #tpu.memory_space<semaphore_mem>>)
      %dma_wait3A = arith.constant 0 : i32
      %dma_wait3A_45 = tpu.memref_slice %arg4[%arg0, %mul3A_2, %dma_wait3A] : memref<2x10240x128xf32, #tpu.memory_space<hbm>> -> memref<1x640x128xf32, #tpu.memory_space<hbm>>
      %dma_wait3A_46 = tpu.memref_squeeze %dma_wait3A_45 : memref<1x640x128xf32, #tpu.memory_space<hbm>> -> memref<640x128xf32, #tpu.memory_space<hbm>>
      %dma_wait3A_47 = arith.constant 0 : i32
      %dma_wait3A_48 = tpu.memref_slice %arg9[%mul3A_2, %dma_wait3A_47] : memref<10240x128xf32, #tpu.memory_space<vmem_shared>> -> memref<640x128xf32, #tpu.memory_space<vmem_shared>>
      tpu.wait_dma2 semaphore(%run_scoped3A_39 : memref<!tpu.dma_semaphore, #tpu.memory_space<semaphore_mem>>) src(%dma_wait3A_48 : memref<640x128xf32, #tpu.memory_space<vmem_shared>>) dst(%dma_wait3A_46 : memref<640x128xf32, #tpu.memory_space<hbm>>)
      tpu.yield
    }) : () -> ()
    return
  }
}

module attributes {stable_mosaic.version = 14 : i64} {
  func.func @_scale_body(%arg0: i32, %arg1: memref<2000x128xf32, #tpu.memory_space<vmem>>, %arg2: memref<2000x1xf32, #tpu.memory_space<vmem>>, %arg3: memref<2000x128xf32, #tpu.memory_space<vmem>>) attributes {dimension_semantics = [#tpu.dimension_semantics<arbitrary>], iteration_bounds = array<i64: 5>, scalar_prefetch = 0 : i64, scratch_operands = 0 : i64, tpu.core_type = #tpu.core_type<tc>, window_params = [{transform_indices = @transform_0, window_bounds = array<i64: 2000, 128>}, {transform_indices = @transform_1, window_bounds = array<i64: 2000, 1>}, {transform_indices = @transform_2, window_bounds = array<i64: 2000, 128>}]} {
    %get3A = arith.constant 0 : index
    %get3A_0 = arith.constant 0 : index
    %get3A_1 = vector.load %arg2[%get3A, %get3A_0] : memref<2000x1xf32, #tpu.memory_space<vmem>>, vector<2000x1xf32>
    %max3A = arith.constant 1.000000e+00 : f32
    %max3A_2 = vector.broadcast %max3A : f32 to vector<2000x1xf32>
    %max3A_3 = arith.maximumf %get3A_1, %max3A_2 : vector<2000x1xf32>
    %rsqrt3A = math.rsqrt %max3A_3 : vector<2000x1xf32>
    %get3A_4 = arith.constant 0 : index
    %get3A_5 = arith.constant 0 : index
    %get3A_6 = vector.load %arg1[%get3A_4, %get3A_5] : memref<2000x128xf32, #tpu.memory_space<vmem>>, vector<2000x128xf32>
    %mul3A = vector.broadcast %rsqrt3A : vector<2000x1xf32> to vector<2000x128xf32>
    %mul3A_7 = arith.mulf %get3A_6, %mul3A : vector<2000x128xf32>
    %swap3A = arith.constant 0 : index
    %swap3A_8 = arith.constant 0 : index
    %swap3A_9 = vector.load %arg3[%swap3A, %swap3A_8] : memref<2000x128xf32, #tpu.memory_space<vmem>>, vector<2000x128xf32>
    tpu.vector_store %arg3[%swap3A, %swap3A_8], %mul3A_7 {strides = array<i32>} : memref<2000x128xf32, #tpu.memory_space<vmem>>, vector<2000x128xf32>,
    return
  }
  func.func @transform_0(%arg0: i32) -> (i32, i32) {
    %c0_i32 = arith.constant 0 : i32
    %c0_i32_0 = arith.constant 0 : i32
    return %arg0, %c0_i32 : i32, i32
  }
  func.func @transform_1(%arg0: i32) -> (i32, i32) {
    %c0_i32 = arith.constant 0 : i32
    %c0_i32_0 = arith.constant 0 : i32
    return %arg0, %c0_i32 : i32, i32
  }
  func.func @transform_2(%arg0: i32) -> (i32, i32) {
    %c0_i32 = arith.constant 0 : i32
    %c0_i32_0 = arith.constant 0 : i32
    return %arg0, %c0_i32 : i32, i32
  }
}

module attributes {stable_mosaic.version = 14 : i64} {
  func.func @_final_body(%arg0: i32, %arg1: memref<2x2000x128xf32, #tpu.memory_space<vmem>>, %arg2: memref<2000x1xf32, #tpu.memory_space<vmem>>, %arg3: memref<2000x128xf32, #tpu.memory_space<vmem>>) attributes {dimension_semantics = [#tpu.dimension_semantics<arbitrary>], iteration_bounds = array<i64: 5>, scalar_prefetch = 0 : i64, scratch_operands = 0 : i64, tpu.core_type = #tpu.core_type<tc>, window_params = [{transform_indices = @transform_0, window_bounds = array<i64: 2, 2000, 128>}, {transform_indices = @transform_1, window_bounds = array<i64: 2000, 1>}, {transform_indices = @transform_2, window_bounds = array<i64: 2000, 128>}]} {
    %get3A = arith.constant 0 : index
    %get3A_0 = arith.constant 0 : index
    %get3A_1 = vector.load %arg2[%get3A, %get3A_0] : memref<2000x1xf32, #tpu.memory_space<vmem>>, vector<2000x1xf32>
    %max3A = arith.constant 1.000000e+00 : f32
    %max3A_2 = vector.broadcast %max3A : f32 to vector<2000x1xf32>
    %max3A_3 = arith.maximumf %get3A_1, %max3A_2 : vector<2000x1xf32>
    %rsqrt3A = math.rsqrt %max3A_3 : vector<2000x1xf32>
    %get3A_4 = arith.constant 0 : index
    %get3A_5 = arith.constant 0 : index
    %get3A_6 = arith.constant 0 : index
    %get3A_7 = vector.load %arg1[%get3A_4, %get3A_5, %get3A_6] : memref<2x2000x128xf32, #tpu.memory_space<vmem>>, vector<1x2000x128xf32>
    %get3A_8 = vector.shape_cast %get3A_7 : vector<1x2000x128xf32> to vector<2000x128xf32>
    %get3A_9 = arith.constant 1 : index
    %get3A_10 = arith.constant 0 : index
    %get3A_11 = arith.constant 0 : index
    %get3A_12 = vector.load %arg1[%get3A_9, %get3A_10, %get3A_11] : memref<2x2000x128xf32, #tpu.memory_space<vmem>>, vector<1x2000x128xf32>
    %get3A_13 = vector.shape_cast %get3A_12 : vector<1x2000x128xf32> to vector<2000x128xf32>
    %add3A = arith.addf %get3A_8, %get3A_13 : vector<2000x128xf32>
    %mul3A = vector.broadcast %rsqrt3A : vector<2000x1xf32> to vector<2000x128xf32>
    %mul3A_14 = arith.mulf %add3A, %mul3A : vector<2000x128xf32>
    %swap3A = arith.constant 0 : index
    %swap3A_15 = arith.constant 0 : index
    %swap3A_16 = vector.load %arg3[%swap3A, %swap3A_15] : memref<2000x128xf32, #tpu.memory_space<vmem>>, vector<2000x128xf32>
    tpu.vector_store %arg3[%swap3A, %swap3A_15], %mul3A_14 {strides = array<i32>} : memref<2000x128xf32, #tpu.memory_space<vmem>>, vector<2000x128xf32>,
    return
  }
  func.func @transform_0(%arg0: i32) -> (i32, i32, i32) {
    %c0_i32 = arith.constant 0 : i32
    %c0_i32_0 = arith.constant 0 : i32
    %c0_i32_1 = arith.constant 0 : i32
    return %c0_i32, %arg0, %c0_i32_0 : i32, i32, i32
  }
  func.func @transform_1(%arg0: i32) -> (i32, i32) {
    %c0_i32 = arith.constant 0 : i32
    %c0_i32_0 = arith.constant 0 : i32
    return %arg0, %c0_i32 : i32, i32
  }
  func.func @transform_2(%arg0: i32) -> (i32, i32) {
    %c0_i32 = arith.constant 0 : i32
    %c0_i32_0 = arith.constant 0 : i32
    return %arg0, %c0_i32 : i32, i32
  }
}

</mosaic_0001>

<sc_bundles>
// kernel: kernel.6.cloned.1.call-start
scs
__scs_entry_jumppad:
0x0: {  	(pc) =	sbr.rel $0x88, $3  }
0x1: {  	(tag) =	ssettag $0x0;
	lr =	simm.s32 $0x1  }
0x2: {  	[smem:$0x3F9F] =	sst lr;
	_ =	strace $0xD0000000  }
0x3: {  	_ = 	snop  }
0x4: {  	_ = 	snop  }
0x5: {  	_ = 	snop  }
0x6: {  	_ = 	snop  }
0x7: {  	_ = 	snop  }
__scs_overlays_trampoline_lowered:
0x8: {  	[smem:$0x3FAE] =	sst s0  }
0x9: {  	[smem:$0x3FAF] =	sst s1  }
0xa: {  	[smem:$0x3FB0] =	sst s2  }
0xb: {  	[smem:$0x3FB1] =	sst s3  }
0xc: {  	[smem:$0x3FB2] =	sst s4  }
0xd: {  	[smem:$0x3FB3] =	sst s5  }
0xe: {  	[smem:$0x3FB4] =	sst s6  }
0xf: {  	[smem:$0x3FB5] =	sst s7  }
0x10: {  	[smem:$0x3FB6] =	sst s8  }
0x11: {  	[smem:$0x3FB7] =	sst s9;
	s0 =	simm.s32 @!p0 $0x0  }
0x12: {  	s1 =	sld [smem:$0x3F9D];
	s0 =	simm.s32 @p0 $0x1  }
0x13: {  	[smem:$0x3FB8] =	sst s0;
	s0 =	simm.s32 @!p1 $0x0  }
0x14: {  	s2 =	sld [smem:$0x3F9C];
	s0 =	simm.s32 @p1 $0x1  }
0x15: {  	[smem:$0x3FB9] =	sst s0;
	s0 =	simm.s32 @!p2 $0x0  }
0x16: {  	s3 =	sld [smem:$0x3FDB];
	s0 =	simm.s32 @p2 $0x1  }
0x17: {  	s4 =	simm.s32 $0x1BF5;
	[smem:$0x3FBB] =	sst s0  }
0x18: {  	s0 =	sld [smem:$0x3F9E];
	_ =	swait.ge [sflag:s4], $0x0  }
0x19: {  	s7 =	sld [smem:$0x3F9F]  }
0x1a: {  	s8 =	sadd.s32 $0xFFFFE003, lr  }
0x1b: {  	s9 =	sadd.s32 $0xFFFFFEF7, lr;
	s5 =	simm.s32 $0xFFFFFFFF;
	p2 =	slt.u32 s8, $0xFFFFF086  }
0x1c: {  	p1 =	slt.u32 s9, $0xF7A;
	s5 =	simm.s32 @!p2 $0x0  }
0x1d: {  	s5 =	simm.s32 @p1 $0x1;
	p0 =	seq.s32 s7, s2  }
0x1e: {  	s7 =	smul.u32 @!p0 $0xF7A, s2;
	p2 =	seq.s32 @!p0 s5, $0x0  }
0x1f: {  	s9 =	smul.u32 $0xF7A, s1;
	s8 =	simm.s32 @!p0 $0x1BF5;
	p2 =	por !p2, p0  }
0x20: {  	[sflag:s8] =	ssyncset.s32 @!p0 $0xFFFFF086;
	s6 =	sadd.s32 @!p0 s3, s7;
	s7 =	simm.s32 @!p0 $0x108  }
0x21: {  	s3 =	sadd.s32 s3, s9;
	s6 =	sadd.s32 @!p0 $0x88, s6;
	s7 =	simm.s32 @p2 $0x1082  }
0x22: {  	[simem:s7], [sflag:s8] =	dma.local @!p0 [hbm:s6], $0xF7A  }
0x23: {  	s9 =	sor.u32 $0xD0000000, s2;
	s6 =	simm.s32 $0x108;
	_ =	swait.ge @!p0 [sflag:s8], $0x0  }
0x24: {  	s3 =	sadd.s32 $0x88, s3;
	s6 =	simm.s32 @!p1 $0x1082;
	[sflag:s4] =	ssyncset.s32 $0xFFFFF086  }
0x25: {  	[simem:s6], [sflag:s4] =	dma.local [hbm:s3], $0xF7A  }
0x26: {  	[smem:$0x3F9F] =	sst s1;
	(tag) =	ssettag s2;
	_ =	strace s9  }
0x27: {  	s1 =	sld [smem:$0x3FAF]  }
0x28: {  	s2 =	sld [smem:$0x3FB0]  }
0x29: {  	s4 =	sld [smem:$0x3FB2]  }
0x2a: {  	p0 =	seq.s32 s5, $0x0;
	s5 =	sld [smem:$0x3FB3]  }
0x2b: {  	s6 =	sld [smem:$0x3FB4]  }
0x2c: {  	s7 =	sld [smem:$0x3FB5]  }
0x2d: {  	s3 =	simm.s32 $0x108;
	s8 =	sld [smem:$0x3FB6]  }
0x2e: {  	s3 =	simm.s32 @!p0 $0x1082;
	s9 =	sld [smem:$0x3FB7]  }
0x2f: {  	lr =	sadd.s32 s0, s3;
	s0 =	sld [smem:$0x3FAE]  }
0x30: {  	s3 =	sld [smem:$0x3FB1]  }
0x31: {  	[smem:$0x3FBA] =	sst s10  }
0x32: {  	s10 =	sld [smem:$0x3FB8];
	_ =	sdelay $0x3  }
0x33: {  	p0 =	seq.s32 s10, $0x1;
	s10 =	sld [smem:$0x3FBA];
	_ =	sdelay $0x3  }
0x34: {  	[smem:$0x3FBA] =	sst s10  }
0x35: {  	s10 =	sld [smem:$0x3FB9];
	_ =	sdelay $0x3  }
0x36: {  	p1 =	seq.s32 s10, $0x1;
	s10 =	sld [smem:$0x3FBA];
	_ =	sdelay $0x3  }
0x37: {  	[smem:$0x3FBA] =	sst s10  }
0x38: {  	s10 =	sld [smem:$0x3FBB]  }
0x39: {  	_ = 	snop;
	(pc) =	sbr.ind lr, $3  }
0x3a: {  	_ = 	snop  }
0x3b: {  	_ = 	snop  }
0x3c: {  	p2 =	seq.s32 s10, $0x1;
	s10 =	sld [smem:$0x3FBA]  }
0x3d: {  	_ =	shalt  }
0x3e: {  	_ =	shalt  }
0x3f: {  	_ =	shalt  }
0x40: {  	_ =	shalt  }
0x41: {  	_ =	shalt  }
0x42: {  	_ =	shalt  }
0x43: {  	_ =	shalt  }
0x44: {  	_ =	shalt  }
0x45: {  	_ =	shalt  }
0x46: {  	_ =	shalt  }
0x47: {  	_ =	shalt  }
0x48: {  	_ =	shalt  }
0x49: {  	_ =	shalt  }
0x4a: {  	_ =	shalt  }
0x4b: {  	_ =	shalt  }
0x4c: {  	_ =	shalt  }
0x4d: {  	_ =	shalt  }
0x4e: {  	_ =	shalt  }
0x4f: {  	_ =	shalt  }
0x50: {  	_ =	shalt  }
0x51: {  	_ =	shalt  }
0x52: {  	_ =	shalt  }
0x53: {  	_ =	shalt  }
0x54: {  	_ =	shalt  }
0x55: {  	_ =	shalt  }
0x56: {  	_ =	shalt  }
0x57: {  	_ =	shalt  }
0x58: {  	_ =	shalt  }
0x59: {  	_ =	shalt  }
0x5a: {  	_ =	shalt  }
0x5b: {  	_ =	shalt  }
0x5c: {  	_ =	shalt  }
0x5d: {  	_ =	shalt  }
0x5e: {  	_ =	shalt  }
0x5f: {  	_ =	shalt  }
0x60: {  	_ =	shalt  }
0x61: {  	_ =	shalt  }
0x62: {  	_ =	shalt  }
0x63: {  	_ =	shalt  }
0x64: {  	_ =	shalt  }
0x65: {  	_ =	shalt  }
0x66: {  	_ =	shalt  }
0x67: {  	_ =	shalt  }
0x68: {  	_ =	shalt  }
0x69: {  	_ =	shalt  }
0x6a: {  	_ =	shalt  }
0x6b: {  	_ =	shalt  }
0x6c: {  	_ =	shalt  }
0x6d: {  	_ =	shalt  }
0x6e: {  	_ =	shalt  }
0x6f: {  	_ =	shalt  }
0x70: {  	_ =	shalt  }
0x71: {  	_ =	shalt  }
0x72: {  	_ =	shalt  }
0x73: {  	_ =	shalt  }
0x74: {  	_ =	shalt  }
0x75: {  	_ =	shalt  }
0x76: {  	_ =	shalt  }
0x77: {  	_ =	shalt  }
0x78: {  	_ =	shalt  }
0x79: {  	_ =	shalt  }
0x7a: {  	_ =	shalt  }
0x7b: {  	_ =	shalt  }
0x7c: {  	_ =	shalt  }
0x7d: {  	_ =	shalt  }
0x7e: {  	_ =	shalt  }
0x7f: {  	_ =	shalt  }
0x80: {  	_ =	shalt  }
0x81: {  	_ =	shalt  }
0x82: {  	_ =	shalt  }
0x83: {  	_ =	shalt  }
0x84: {  	_ =	shalt  }
0x85: {  	_ =	shalt  }
0x86: {  	_ =	shalt  }
0x87: {  	_ =	shalt  }
.Lfunc_end0:
.L_simem_size_0:
called_computation_lowered:
.L_overlay_start_0:
0x88: {  	s2 =	sld [smem:$0x3FD9]  }
0x89: {  	s3 =	sld [smem:$0x3FFE];
	_ =	sdelay $0x1  }
0x8a: {  	s1 =	srdreg.scid  }
0x8b: {  	s0 =	sand.u32 $0x1, s1  }
0x8c: {  	s17 =	sshll.u32 s0, $0xA;
	s2 =	sadd.s32 s3, s2  }
0x8d: {  	s2 =	sadd.s32 s2, s17  }
0x8e: {  	[smem:$0x3FC6] =	sst s2  }
0x8f: {  	_ = 	snop  }
0x90: {  	s2 =	sld [smem:$0x3FD0];
	(tm) =	ssettm $0x1  }
0x91: {  	s18 =	sld [smem:$0x3FFB];
	_ =	sdelay $0x3  }
0x92: {  	_ =	strace s18  }
0x93: {  	s3 =	sld [smem:$0x3FFC];
	_ =	sdelay $0x3  }
0x94: {  	_ =	strace s3  }
0x95: {  	s3 =	sld [smem:$0x3FFD];
	_ =	sdelay $0x3  }
0x96: {  	_ =	strace s3  }
0x97: {  	_ =	strace $0x8FFFFFFF  }
0x98: {  	s19 =	sld [smem:$0x3FDB];
	_ =	sdelay $0x1  }
0x99: {  	s4 =	simm.s32 $_scs_section_size  }
0x9a: {  	s5 =	simm.s32 $_size__tile_overlayer_lowered;
	s6 =	simm.s32 $_tile_overlayer_lowered  }
0x9b: {  	s22 =	simm.s32 $0x1BFF;
	s21 =	sshll.u32 s6, $0x1;
	s3 =	sadd.s32 s4, s19  }
0x9c: {  	s7 =	simm.s32 $0x0;
	s20 =	sshll.u32 s5, $0x1;
	s5 =	sadd.s32 s21, s3  }
0x9d: {  	[timem:s7], [sflag:s22] =	dma.local [hbm:s5], s20  }
0x9e: {  	_ =	swait.ge [sflag:s22], s20  }
0x9f: {  	s4 =	ssub.s32 $0x0, s20;
	[sflag:s22] =	ssyncset.done $0x0  }
0xa0: {  	[sflag:s22] =	ssyncadd.s32 s4;
	_ =	sdelay $0x1  }
0xa1: {  	s23 =	simm.s32 $0x1B8B  }
0xa2: {  	_ =	swait.ge [sflag:s23], $0x1  }
0xa3: {  	[sflag:s23] =	ssyncset.done $0x0  }
0xa4: {  	s25 =	simm.s32 $0x1B8E;
	s24 =	sld [smem:$0x3FFE];
	[sflag:s23] =	ssyncadd.s32 $0xFFFFFFFF  }
0xa5: {  	s26 =	simm.s32 $execute0_lowered;
	[smem:$0x3FD2] =	sst s25  }
0xa6: {  	s5 =	sshll.u32 s26, $0x1;
	_ =	strace $0x80000046;
	[dreg:$0x1] =	wrdreg $0xFFFFFFFF  }
0xa7: {  	s28 =	simm.s32 $_size_execute0_lowered;
	s3 =	sadd.s32 s3, s5;
	[dreg:$0x0] =	wrdreg $0x0  }
0xa8: {  	s5 =	sshll.u32 s28, $0x1;
	[dreg:$0x2] =	wrdreg s3  }
0xa9: {  	[dreg:$0x3] =	wrdreg s5  }
0xaa: {  	[dreg:$0x4] =	wrdreg $0xC0  }
0xab: {  	_ =	task [dreg:s7], $0x5FFFF  }
0xac: {  	[dreg:$0x1] =	wrdreg $0xFFFFFFFF  }
0xad: {  	[dreg:$0x0] =	wrdreg $0x60  }
0xae: {  	[dreg:$0x2] =	wrdreg s24  }
0xaf: {  	[dreg:$0x3] =	wrdreg s2  }
0xb0: {  	[dreg:$0x4] =	wrdreg $0x50800  }
0xb1: {  	[dreg:$0x5] =	wrdreg $0x9  }
0xb2: {  	_ =	task.clear_ibuf [dreg:s7], $0x6FFFF;
	_ =	strace $0x90000046  }
0xb3: {  	s29 =	simm.s32 $0x9;
	_ =	strace $0x80000048  }
0xb4: {  	_ =	swait.ge [sflag:s29], $0x1  }
0xb5: {  	[sflag:s29] =	ssyncadd.s32 $0xFFFFFFFF  }
0xb6: {  	_ =	strace $0x90000048  }
0xb7: {  	_ =	sfence  }
0xb8: {  	s30 =	sld [smem:$0x0];
	_ =	sdelay $0x2  }
0xb9: {  	s31 =	sshll.u32 s1, $0xD;
	s1 =	sshrl.u32 s1, $0x2  }
0xba: {  	s3 =	sand.u32 $0x4000, s31;
	s1 =	sadd.s32 s1, s30  }
0xbb: {  	s0 =	sor.u32 s3, s0;
	s1 =	sshll.u32 s1, $0x11  }
0xbc: {  	s0 =	sor.u32 s1, s0  }
0xbd: {  	s0 =	sadd.s32 $0x8F2B, s0  }
0xbe: {  	[sflag:s0] =	ssyncadd.remote.s32 $0x1  }
0xbf: {  	_ =	sfence.sel $0xFFFF  }
0xc0: {  	[dreg:$0x0] =	wrdreg $0xFFFFFFFF;
	(pc) =	sbr.abs _section_cstart, $3  }
0xc1: {  	[dreg:$0x1] =	wrdreg $0xFFFFFFFF  }
0xc2: {  	_ =	task.clear_ibuf [dreg:s7], $0x2FFFF;
	_ =	strace $0x9FFFFFFF  }
0xc3: {  	(tm) =	ssettm $0x7FFFFFFF  }
tec
execute0_lowered:
.L_overlay_start_1:
0x0: {  	(tag) =	ssettag $0x1  }
0x1: {  	s4 =	rddreg [dreg:$0x0]  }
0x2: {  	s0 =	srdreg.scid;
	s6 =	rddreg [dreg:$0x1]  }
0x3: {  	s2 =	rddreg [dreg:$0x2];
	s1 =	stileid.u32  }
0x4: {  	s3 =	simm.s32 $0x0;
	s5 =	sand.u32 $0x1, s0;
	s0 =	rddreg [dreg:$0x3]  }
0x5: {  	s11 =	simm.s32 $0x5000;
	s14 =	simm.s32 $0x0;
	[smem:$0x7FF] =	sst s3  }
0x6: {  	s9 =	sshll.u32 s1, $0xA;
	p0 =	sgt.u32 s1, $0x9;
	s7 =	sshll.u32 s5, $0x4  }
0x7: {  	_ =	strace $0x80000047;
	s8 =	smul.u32 $0x2800, s5;
	s5 =	ssub.s32 $0x2, s5  }
0x8: {  	s12 =	sshll.u32 @!p0 s1, $0x6;
	s7 =	sor.u32 s1, s7;
	s10 =	sshrl.u32 s5, $0x1  }
0x9: {  	s12 =	sor.u32 @!p0 $0x1C01, s12;
	s7 =	smul.u32 $0x2800, s7;
	s30 =	sadd.s32 s9, s8  }
0xa: {  	s31 =	ssub.s32 s5, s10;
	s5 =	sadd.s32 s9, s2;
	s8 =	simm.s32 $0x1  }
0xb: {  	v0 =	vlaneseq.u32;
	s9 =	simm.s32 $0x2800;
	s10 =	simm.s32 $0x50;
	s7 =	sshrl.u32 s7, $0x3  }
0xc: {  	v1 =	vimm.f32 $0.0e+00;
	v6 =	vimm.f32 $1.000000000e+00;
	v2 =	vor.u32 $0x10, v0;
	s13 =	sshrl.u32 @!p0 s5, $0x3;
	s4 =	sadd.s32 s4, s7;
	s7 =	sshrl.u32 s30, $0x3  }
0xd: {  	v3 =	vor.u32 $0x20, v0;
	v4 =	vor.u32 $0x30, v0;
	v5 =	vor.u32 $0x40, v0;
	s4 =	sadd.s32 $0xB400, s4;
	s6 =	sadd.s32 s6, s7;
	s7 =	smax.u32 s31, $0x1  }
.LBB2_1:
0xe: {  	[tilespmem:s3], [sflag:$0x1] =	stream.linear.gather [hbm4b:s4+s3], $0x2800, $0x38;
	[tilespmem:$0x5300] =	vst v63  }
0xf: {  	_ =	swait.ge [sflag:s8], $0x2800  }
0x10: {  	[sflag:s8] =	ssyncset.done $0x0  }
0x11: {  	s15 =	simm.s32 $0x70;
	s16 =	simm.s32 $0x3C0;
	[sflag:s8] =	ssyncadd.s32 $0xFFFFD800  }
.LBB2_2:
0x12: {  	p1 =	sne.s32 s16, $0x9FC0;
	[tilespmem:s15+$0x2800] =	vst v1  }
0x13: {  	[tilespmem:s15+$0x2790] =	vst v1  }
0x14: {  	[tilespmem:s15+$0x27A0] =	vst v1  }
.Ltmp0:
0x15: {  	[tilespmem:s15+$0x27B0] =	vst v1;
	(pc) =	sbr.rel @p1 .LBB2_2-.Ltmp0, $4  }
0x16: {  	[tilespmem:s15+$0x27C0] =	vst v1  }
0x17: {  	[tilespmem:s15+$0x27D0] =	vst v1  }
0x18: {  	[tilespmem:s15+$0x27E0] =	vst v1  }
0x19: {  	[tilespmem:s15+$0x27F0] =	vst v1;
	s15 =	sshra.s32 s16, $0x2;
	s16 =	sadd.s32 $0x200, s16  }
0x1a: {  	[tilespmem:s15+$0x2800] =	vst v1  }
0x1b: {  	[tilespmem:s15+$0x2790] =	vst v1  }
0x1c: {  	[tilespmem:s15+$0x27A0] =	vst v1  }
0x1d: {  	[tilespmem:s15+$0x27B0] =	vst v1  }
0x1e: {  	[tilespmem:s15+$0x27C0] =	vst v1  }
0x1f: {  	[tilespmem:s15+$0x27D0] =	vst v1  }
0x20: {  	[tilespmem:s15+$0x27E0] =	vst v1  }
0x21: {  	[tilespmem:s15+$0x27F0] =	vst v1;
	s15 =	simm.s32 @!p0 $0x2800  }
0x22: {  	[spmem:s5] =	stream.linear.scatter @!p0 [tilespmem:s15], [sflag:$0x1], $0x400, $0x38;
	[tilespmem:$0x5300] =	vst v63  }
0x23: {  	s15 =	simm.s32 @!p0 $0x1  }
0x24: {  	_ =	swait.ge @!p0 [sflag:s15], $0x400  }
0x25: {  	[sflag:s15] =	ssyncset.done @!p0 $0x0  }
0x26: {  	[sflag:s15] =	ssyncadd.s32 @!p0 $0xFFFFFC00  }
0x27: {  	[tilespmem:$0x5000] =	vst v0  }
0x28: {  	[tilespmem:$0x5010] =	vst v2  }
0x29: {  	[tilespmem:$0x5020] =	vst v3  }
0x2a: {  	[tilespmem:$0x5030] =	vst v4  }
0x2b: {  	s15 =	simm.s32 $0x1C0;
	[tilespmem:$0x5040] =	vst v5  }
.LBB2_4:
0x2c: {  	s16 =	sshra.s32 s15, $0x2  }
0x2d: {  	v7 =	vld [tilespmem:s16+$0xFFFFFF90];
	_ =	sdelay $0x7  }
0x2e: {  	[tilespmem:v7+s9+$0x0] =	vst.idx.add.f32.msk $0xffff, v6  }
0x2f: {  	v7 =	vld [tilespmem:s16+$0xFFFFFFA0];
	_ =	sdelay $0x7  }
0x30: {  	[tilespmem:v7+s9+$0x0] =	vst.idx.add.f32.msk $0xffff, v6  }
0x31: {  	v7 =	vld [tilespmem:s16+$0xFFFFFFB0];
	_ =	sdelay $0x7  }
0x32: {  	[tilespmem:v7+s9+$0x0] =	vst.idx.add.f32.msk $0xffff, v6  }
0x33: {  	v7 =	vld [tilespmem:s16+$0xFFFFFFC0];
	_ =	sdelay $0x7  }
0x34: {  	[tilespmem:v7+s9+$0x0] =	vst.idx.add.f32.msk $0xffff, v6  }
0x35: {  	v7 =	vld [tilespmem:s16+$0xFFFFFFD0];
	_ =	sdelay $0x7  }
0x36: {  	[tilespmem:v7+s9+$0x0] =	vst.idx.add.f32.msk $0xffff, v6  }
0x37: {  	v7 =	vld [tilespmem:s16+$0xFFFFFFE0];
	_ =	sdelay $0x7  }
0x38: {  	[tilespmem:v7+s9+$0x0] =	vst.idx.add.f32.msk $0xffff, v6  }
0x39: {  	v7 =	vld [tilespmem:s16+$0xFFFFFFF0];
	_ =	sdelay $0x7  }
0x3a: {  	[tilespmem:v7+s9+$0x0] =	vst.idx.add.f32.msk $0xffff, v6  }
0x3b: {  	v7 =	vld [tilespmem:s16+$0x0];
	_ =	sdelay $0x2  }
0x3c: {  	p1 =	sne.s32 s15, $0x9FC0  }
.Ltmp1:
0x3d: {  	_ = 	snop;
	(pc) =	sbr.rel @p1 .LBB2_4-.Ltmp1, $2  }
0x3e: {  	_ =	sdelay $0x2  }
0x3f: {  	s15 =	sadd.s32 $0x200, s15;
	[tilespmem:v7+s9+$0x0] =	vst.idx.add.f32.msk $0xffff, v6  }
0x40: {  	[bflag:$0x0] =	sbarrier.arrive $0xFFFF  }
0x41: {  	[spmem:s2] =	stream.indirect.scatter.add.f32 [tilespmem:s9], [sflag:$0x1], $0x80, s11, s10, $0xb8;
	[tilespmem:$0x5300] =	vst v63  }
0x42: {  	_ =	swait.ge [sflag:s8], $0x2800  }
0x43: {  	s14 =	sadd.s32 $0x1, s14;
	[sflag:s8] =	ssyncset.done $0x0  }
0x44: {  	p1 =	sne.s32 s14, s7;
	[sflag:s8] =	ssyncadd.s32 $0xFFFFD800  }
.Ltmp2:
0x45: {  	s15 =	simm.s32 @!p0 $0x1;
	[bflag:$0x0] =	sbarrier.arrive $0xFFFF;
	(pc) =	sbr.rel @p1 .LBB2_1-.Ltmp2, $4  }
0x46: {  	[hbm:s6], [sflag:s12] =	dma.local @!p0 [spmem:s13], $0x80  }
0x47: {  	_ =	swait.ge @!p0 [sflag:s15], $0x80  }
0x48: {  	[sflag:s15] =	ssyncset.done @!p0 $0x0  }
0x49: {  	[sflag:s15] =	ssyncadd.s32 @!p0 $0xFFFFFF80  }
0x4a: {  	_ =	sfence.sel $0x180000  }
0x4b: {  	[bflag:$0x0] =	sbarrier.arrive $0xFFFF  }
0x4c: {  	p0 =	sne.s32 s1, $0x0;
	_ =	strace $0x90000047  }
0x4d: {  	s0 =	sadd.s32 @!p0 $0x100000, s0;
	[bflag:$0x2] =	sbarrier.arrive $0xFFFF  }
0x4e: {  	[sflag:s0] =	ssyncadd.tile.s32 @!p0 $0x1;
	_ =	shalt  }
.Lfunc_end2:
_tile_overlayer_lowered:
.L_overlay_start_2:
0x4f: {  	(tag) =	ssettag $0x2  }
0x50: {  	s0 =	rddreg [dreg:$0x0];
	s2 =	stileid.u32  }
0x51: {  	s1 =	rddreg [dreg:$0x1];
	p0 =	sne.s32 s2, $0x0  }
0x52: {  	s3 =	rddreg [dreg:$0x2];
	[bflag:$0x3] =	sbarrier.arrive $0xFFFF;
	s2 =	simm.s32 @!p0 $0x1C01  }
0x53: {  	[timem:s3], [sflag:s2] =	dma.local @!p0 [hbm:s0], s1  }
0x54: {  	s0 =	simm.s32 @!p0 $0x1  }
0x55: {  	_ =	swait.ge @!p0 [sflag:s0], s1  }
0x56: {  	s1 =	ssub.s32 @!p0 $0x0, s1;
	[sflag:s0] =	ssyncset.done @!p0 $0x0  }
0x57: {  	[sflag:s0] =	ssyncadd.s32 @!p0 s1  }
0x58: {  	[bflag:$0x3] =	sbarrier.arrive $0xFFFF  }
0x59: {  	_ =	shalt  }

// kernel: kernel.9.cloned.1.call-start
scs
__scs_entry_jumppad:
0x0: {  	(pc) =	sbr.rel $0x88, $3  }
0x1: {  	(tag) =	ssettag $0x0;
	lr =	simm.s32 $0x1  }
0x2: {  	[smem:$0x3F9F] =	sst lr;
	_ =	strace $0xD0000000  }
0x3: {  	_ = 	snop  }
0x4: {  	_ = 	snop  }
0x5: {  	_ = 	snop  }
0x6: {  	_ = 	snop  }
0x7: {  	_ = 	snop  }
__scs_overlays_trampoline_lowered:
0x8: {  	[smem:$0x3FAE] =	sst s0  }
0x9: {  	[smem:$0x3FAF] =	sst s1  }
0xa: {  	[smem:$0x3FB0] =	sst s2  }
0xb: {  	[smem:$0x3FB1] =	sst s3  }
0xc: {  	[smem:$0x3FB2] =	sst s4  }
0xd: {  	[smem:$0x3FB3] =	sst s5  }
0xe: {  	[smem:$0x3FB4] =	sst s6  }
0xf: {  	[smem:$0x3FB5] =	sst s7  }
0x10: {  	[smem:$0x3FB6] =	sst s8  }
0x11: {  	[smem:$0x3FB7] =	sst s9;
	s0 =	simm.s32 @!p0 $0x0  }
0x12: {  	s1 =	sld [smem:$0x3F9D];
	s0 =	simm.s32 @p0 $0x1  }
0x13: {  	[smem:$0x3FB8] =	sst s0;
	s0 =	simm.s32 @!p1 $0x0  }
0x14: {  	s2 =	sld [smem:$0x3F9C];
	s0 =	simm.s32 @p1 $0x1  }
0x15: {  	[smem:$0x3FB9] =	sst s0;
	s0 =	simm.s32 @!p2 $0x0  }
0x16: {  	s3 =	sld [smem:$0x3FDB];
	s0 =	simm.s32 @p2 $0x1  }
0x17: {  	s4 =	simm.s32 $0x1BF5;
	[smem:$0x3FBB] =	sst s0  }
0x18: {  	s0 =	sld [smem:$0x3F9E];
	_ =	swait.ge [sflag:s4], $0x0  }
0x19: {  	s7 =	sld [smem:$0x3F9F]  }
0x1a: {  	s8 =	sadd.s32 $0xFFFFE003, lr  }
0x1b: {  	s9 =	sadd.s32 $0xFFFFFEF7, lr;
	s5 =	simm.s32 $0xFFFFFFFF;
	p2 =	slt.u32 s8, $0xFFFFF086  }
0x1c: {  	p1 =	slt.u32 s9, $0xF7A;
	s5 =	simm.s32 @!p2 $0x0  }
0x1d: {  	s5 =	simm.s32 @p1 $0x1;
	p0 =	seq.s32 s7, s2  }
0x1e: {  	s7 =	smul.u32 @!p0 $0xF7A, s2;
	p2 =	seq.s32 @!p0 s5, $0x0  }
0x1f: {  	s9 =	smul.u32 $0xF7A, s1;
	s8 =	simm.s32 @!p0 $0x1BF5;
	p2 =	por !p2, p0  }
0x20: {  	[sflag:s8] =	ssyncset.s32 @!p0 $0xFFFFF086;
	s6 =	sadd.s32 @!p0 s3, s7;
	s7 =	simm.s32 @!p0 $0x108  }
0x21: {  	s3 =	sadd.s32 s3, s9;
	s6 =	sadd.s32 @!p0 $0x88, s6;
	s7 =	simm.s32 @p2 $0x1082  }
0x22: {  	[simem:s7], [sflag:s8] =	dma.local @!p0 [hbm:s6], $0xF7A  }
0x23: {  	s9 =	sor.u32 $0xD0000000, s2;
	s6 =	simm.s32 $0x108;
	_ =	swait.ge @!p0 [sflag:s8], $0x0  }
0x24: {  	s3 =	sadd.s32 $0x88, s3;
	s6 =	simm.s32 @!p1 $0x1082;
	[sflag:s4] =	ssyncset.s32 $0xFFFFF086  }
0x25: {  	[simem:s6], [sflag:s4] =	dma.local [hbm:s3], $0xF7A  }
0x26: {  	[smem:$0x3F9F] =	sst s1;
	(tag) =	ssettag s2;
	_ =	strace s9  }
0x27: {  	s1 =	sld [smem:$0x3FAF]  }
0x28: {  	s2 =	sld [smem:$0x3FB0]  }
0x29: {  	s4 =	sld [smem:$0x3FB2]  }
0x2a: {  	p0 =	seq.s32 s5, $0x0;
	s5 =	sld [smem:$0x3FB3]  }
0x2b: {  	s6 =	sld [smem:$0x3FB4]  }
0x2c: {  	s7 =	sld [smem:$0x3FB5]  }
0x2d: {  	s3 =	simm.s32 $0x108;
	s8 =	sld [smem:$0x3FB6]  }
0x2e: {  	s3 =	simm.s32 @!p0 $0x1082;
	s9 =	sld [smem:$0x3FB7]  }
0x2f: {  	lr =	sadd.s32 s0, s3;
	s0 =	sld [smem:$0x3FAE]  }
0x30: {  	s3 =	sld [smem:$0x3FB1]  }
0x31: {  	[smem:$0x3FBA] =	sst s10  }
0x32: {  	s10 =	sld [smem:$0x3FB8];
	_ =	sdelay $0x3  }
0x33: {  	p0 =	seq.s32 s10, $0x1;
	s10 =	sld [smem:$0x3FBA];
	_ =	sdelay $0x3  }
0x34: {  	[smem:$0x3FBA] =	sst s10  }
0x35: {  	s10 =	sld [smem:$0x3FB9];
	_ =	sdelay $0x3  }
0x36: {  	p1 =	seq.s32 s10, $0x1;
	s10 =	sld [smem:$0x3FBA];
	_ =	sdelay $0x3  }
0x37: {  	[smem:$0x3FBA] =	sst s10  }
0x38: {  	s10 =	sld [smem:$0x3FBB]  }
0x39: {  	_ = 	snop;
	(pc) =	sbr.ind lr, $3  }
0x3a: {  	_ = 	snop  }
0x3b: {  	_ = 	snop  }
0x3c: {  	p2 =	seq.s32 s10, $0x1;
	s10 =	sld [smem:$0x3FBA]  }
0x3d: {  	_ =	shalt  }
0x3e: {  	_ =	shalt  }
0x3f: {  	_ =	shalt  }
0x40: {  	_ =	shalt  }
0x41: {  	_ =	shalt  }
0x42: {  	_ =	shalt  }
0x43: {  	_ =	shalt  }
0x44: {  	_ =	shalt  }
0x45: {  	_ =	shalt  }
0x46: {  	_ =	shalt  }
0x47: {  	_ =	shalt  }
0x48: {  	_ =	shalt  }
0x49: {  	_ =	shalt  }
0x4a: {  	_ =	shalt  }
0x4b: {  	_ =	shalt  }
0x4c: {  	_ =	shalt  }
0x4d: {  	_ =	shalt  }
0x4e: {  	_ =	shalt  }
0x4f: {  	_ =	shalt  }
0x50: {  	_ =	shalt  }
0x51: {  	_ =	shalt  }
0x52: {  	_ =	shalt  }
0x53: {  	_ =	shalt  }
0x54: {  	_ =	shalt  }
0x55: {  	_ =	shalt  }
0x56: {  	_ =	shalt  }
0x57: {  	_ =	shalt  }
0x58: {  	_ =	shalt  }
0x59: {  	_ =	shalt  }
0x5a: {  	_ =	shalt  }
0x5b: {  	_ =	shalt  }
0x5c: {  	_ =	shalt  }
0x5d: {  	_ =	shalt  }
0x5e: {  	_ =	shalt  }
0x5f: {  	_ =	shalt  }
0x60: {  	_ =	shalt  }
0x61: {  	_ =	shalt  }
0x62: {  	_ =	shalt  }
0x63: {  	_ =	shalt  }
0x64: {  	_ =	shalt  }
0x65: {  	_ =	shalt  }
0x66: {  	_ =	shalt  }
0x67: {  	_ =	shalt  }
0x68: {  	_ =	shalt  }
0x69: {  	_ =	shalt  }
0x6a: {  	_ =	shalt  }
0x6b: {  	_ =	shalt  }
0x6c: {  	_ =	shalt  }
0x6d: {  	_ =	shalt  }
0x6e: {  	_ =	shalt  }
0x6f: {  	_ =	shalt  }
0x70: {  	_ =	shalt  }
0x71: {  	_ =	shalt  }
0x72: {  	_ =	shalt  }
0x73: {  	_ =	shalt  }
0x74: {  	_ =	shalt  }
0x75: {  	_ =	shalt  }
0x76: {  	_ =	shalt  }
0x77: {  	_ =	shalt  }
0x78: {  	_ =	shalt  }
0x79: {  	_ =	shalt  }
0x7a: {  	_ =	shalt  }
0x7b: {  	_ =	shalt  }
0x7c: {  	_ =	shalt  }
0x7d: {  	_ =	shalt  }
0x7e: {  	_ =	shalt  }
0x7f: {  	_ =	shalt  }
0x80: {  	_ =	shalt  }
0x81: {  	_ =	shalt  }
0x82: {  	_ =	shalt  }
0x83: {  	_ =	shalt  }
0x84: {  	_ =	shalt  }
0x85: {  	_ =	shalt  }
0x86: {  	_ =	shalt  }
0x87: {  	_ =	shalt  }
.Lfunc_end0:
.L_simem_size_0:
called_computation.1_lowered:
.L_overlay_start_0:
0x88: {  	s2 =	sld [smem:$0x3FD9]  }
0x89: {  	s3 =	sld [smem:$0x3FFE];
	_ =	sdelay $0x1  }
0x8a: {  	s1 =	srdreg.scid  }
0x8b: {  	s0 =	sand.u32 $0x1, s1  }
0x8c: {  	s17 =	sshll.u32 s0, $0xA;
	s2 =	sadd.s32 s3, s2  }
0x8d: {  	s2 =	sadd.s32 s2, s17  }
0x8e: {  	[smem:$0x3FC6] =	sst s2  }
0x8f: {  	_ = 	snop  }
0x90: {  	s2 =	sld [smem:$0x3FD0];
	(tm) =	ssettm $0x1  }
0x91: {  	s18 =	sld [smem:$0x3FFB];
	_ =	sdelay $0x3  }
0x92: {  	_ =	strace s18  }
0x93: {  	s3 =	sld [smem:$0x3FFC];
	_ =	sdelay $0x3  }
0x94: {  	_ =	strace s3  }
0x95: {  	s3 =	sld [smem:$0x3FFD];
	_ =	sdelay $0x3  }
0x96: {  	_ =	strace s3  }
0x97: {  	_ =	strace $0x8FFFFFFF  }
0x98: {  	s19 =	sld [smem:$0x3FDB];
	_ =	sdelay $0x1  }
0x99: {  	s4 =	simm.s32 $_scs_section_size  }
0x9a: {  	s5 =	simm.s32 $_size__tile_overlayer_lowered;
	s6 =	simm.s32 $_tile_overlayer_lowered  }
0x9b: {  	s22 =	simm.s32 $0x1BFF;
	s21 =	sshll.u32 s6, $0x1;
	s3 =	sadd.s32 s4, s19  }
0x9c: {  	s7 =	simm.s32 $0x0;
	s20 =	sshll.u32 s5, $0x1;
	s5 =	sadd.s32 s21, s3  }
0x9d: {  	[timem:s7], [sflag:s22] =	dma.local [hbm:s5], s20  }
0x9e: {  	_ =	swait.ge [sflag:s22], s20  }
0x9f: {  	s4 =	ssub.s32 $0x0, s20;
	[sflag:s22] =	ssyncset.done $0x0  }
0xa0: {  	[sflag:s22] =	ssyncadd.s32 s4;
	_ =	sdelay $0x1  }
0xa1: {  	s23 =	simm.s32 $0x1B8B  }
0xa2: {  	_ =	swait.ge [sflag:s23], $0x1  }
0xa3: {  	[sflag:s23] =	ssyncset.done $0x0  }
0xa4: {  	s25 =	simm.s32 $0x1B8E;
	s24 =	sld [smem:$0x3FFE];
	[sflag:s23] =	ssyncadd.s32 $0xFFFFFFFF  }
0xa5: {  	s26 =	simm.s32 $execute0_lowered;
	[smem:$0x3FD2] =	sst s25  }
0xa6: {  	s5 =	sshll.u32 s26, $0x1;
	_ =	strace $0x80000049;
	[dreg:$0x1] =	wrdreg $0xFFFFFFFF  }
0xa7: {  	s28 =	simm.s32 $_size_execute0_lowered;
	s3 =	sadd.s32 s3, s5;
	[dreg:$0x0] =	wrdreg $0x0  }
0xa8: {  	s5 =	sshll.u32 s28, $0x1;
	[dreg:$0x2] =	wrdreg s3  }
0xa9: {  	[dreg:$0x3] =	wrdreg s5  }
0xaa: {  	[dreg:$0x4] =	wrdreg $0xC0  }
0xab: {  	_ =	task [dreg:s7], $0x5FFFF  }
0xac: {  	[dreg:$0x1] =	wrdreg $0xFFFFFFFF  }
0xad: {  	[dreg:$0x0] =	wrdreg $0x60  }
0xae: {  	[dreg:$0x2] =	wrdreg s2  }
0xaf: {  	[dreg:$0x3] =	wrdreg s24  }
0xb0: {  	[dreg:$0x4] =	wrdreg $0xA8000  }
0xb1: {  	[dreg:$0x5] =	wrdreg $0x9  }
0xb2: {  	_ =	task.clear_ibuf [dreg:s7], $0x6FFFF;
	_ =	strace $0x90000049  }
0xb3: {  	s29 =	simm.s32 $0x9;
	_ =	strace $0x8000004B  }
0xb4: {  	_ =	swait.ge [sflag:s29], $0x1  }
0xb5: {  	[sflag:s29] =	ssyncadd.s32 $0xFFFFFFFF  }
0xb6: {  	_ =	strace $0x9000004B  }
0xb7: {  	_ =	sfence  }
0xb8: {  	s30 =	sld [smem:$0x0];
	_ =	sdelay $0x2  }
0xb9: {  	s31 =	sshll.u32 s1, $0xD;
	s1 =	sshrl.u32 s1, $0x2  }
0xba: {  	s3 =	sand.u32 $0x4000, s31;
	s1 =	sadd.s32 s1, s30  }
0xbb: {  	s0 =	sor.u32 s3, s0;
	s1 =	sshll.u32 s1, $0x11  }
0xbc: {  	s0 =	sor.u32 s1, s0  }
0xbd: {  	s0 =	sadd.s32 $0x8F2B, s0  }
0xbe: {  	[sflag:s0] =	ssyncadd.remote.s32 $0x1  }
0xbf: {  	_ =	sfence.sel $0xFFFF  }
0xc0: {  	[dreg:$0x0] =	wrdreg $0xFFFFFFFF;
	(pc) =	sbr.abs _section_cstart, $3  }
0xc1: {  	[dreg:$0x1] =	wrdreg $0xFFFFFFFF  }
0xc2: {  	_ =	task.clear_ibuf [dreg:s7], $0x2FFFF;
	_ =	strace $0x9FFFFFFF  }
0xc3: {  	(tm) =	ssettm $0x7FFFFFFF  }
tec
execute0_lowered:
.L_overlay_start_1:
0x0: {  	(tag) =	ssettag $0x1  }
0x1: {  	s1 =	rddreg [dreg:$0x0]  }
0x2: {  	s6 =	rddreg [dreg:$0x1]  }
0x3: {  	s0 =	srdreg.scid;
	s3 =	rddreg [dreg:$0x2]  }
0x4: {  	s4 =	simm.s32 $0x0;
	s16 =	simm.s32 $0x6800;
	s17 =	simm.s32 $0x3  }
0x5: {  	s18 =	simm.s32 $0x1400;
	s19 =	simm.s32 $0x80;
	s20 =	simm.s32 $0x2800  }
0x6: {  	s21 =	simm.s32 $0x1;
	s22 =	simm.s32 $0x2;
	s23 =	simm.s32 $0x1380  }
0x7: {  	s24 =	simm.s32 $0x2700;
	s5 =	sand.u32 $0x1, s0;
	s0 =	stileid.u32  }
0x8: {  	s25 =	simm.s32 $0x2780;
	[smem:$0x7FF] =	sst s4;
	s8 =	smul.u32 $0x140000, s5  }
0x9: {  	s2 =	sshll.u32 s5, $0x4;
	s9 =	smul.u32 $0x14000, s0;
	s5 =	ssub.s32 $0x2, s5  }
0xa: {  	s28 =	smul.u32 $0x50000, s0;
	s2 =	sor.u32 s0, s2;
	s30 =	sshrl.u32 s5, $0x1  }
0xb: {  	s7 =	smul.u32 $0x2800, s2;
	s2 =	rddreg [dreg:$0x3];
	_ =	strace $0x8000004A  }
0xc: {  	s8 =	sadd.s32 s9, s8;
	s12 =	ssub.s32 s5, s30;
	s31 =	sshrl.u32 s28, $0x2  }
0xd: {  	s29 =	sshrl.u32 s8, $0x3;
	s5 =	sadd.s32 s31, s3;
	s7 =	sshrl.u32 s7, $0x3  }
0xe: {  	s11 =	sadd.s32 s29, s6;
	s13 =	sadd.s32 $0x8000, s5;
	s10 =	sadd.s32 s7, s6  }
0xf: {  	s14 =	sadd.s32 $0xC000, s5;
	s15 =	sadd.s32 $0x10000, s5;
	s6 =	sadd.s32 $0x1400, s10  }
0x10: {  	s7 =	sadd.s32 $0xB400, s10;
	s8 =	sadd.s32 $0x1680, s10;
	s9 =	sadd.s32 $0xB680, s10  }
0x11: {  	v0 =	vimm.f32 $0.0e+00;
	s10 =	sadd.s32 $0x15400, s11;
	s11 =	smax.u32 s12, $0x1;
	s12 =	sadd.s32 $0x4000, s5  }
.LBB2_1:
0x12: {  	s26 =	simm.s32 $0x0;
	s28 =	simm.s32 $0x200  }
.LBB2_2:
0x13: {  	p0 =	sne.s32 s28, $0xFE00;
	[tilespmem:s26+$0x6870] =	vst v0  }
0x14: {  	[tilespmem:s26+$0x6800] =	vst v0  }
0x15: {  	[tilespmem:s26+$0x6810] =	vst v0  }
.Ltmp0:
0x16: {  	[tilespmem:s26+$0x6820] =	vst v0;
	(pc) =	sbr.rel @p0 .LBB2_2-.Ltmp0, $4  }
0x17: {  	[tilespmem:s26+$0x6830] =	vst v0  }
0x18: {  	[tilespmem:s26+$0x6840] =	vst v0  }
0x19: {  	[tilespmem:s26+$0x6850] =	vst v0  }
0x1a: {  	[tilespmem:s26+$0x6860] =	vst v0;
	s26 =	sshra.s32 s28, $0x2;
	s28 =	sadd.s32 $0x200, s28  }
0x1b: {  	[tilespmem:s26+$0x6870] =	vst v0  }
0x1c: {  	[tilespmem:s26+$0x6800] =	vst v0  }
0x1d: {  	[tilespmem:s26+$0x6810] =	vst v0  }
0x1e: {  	[tilespmem:s26+$0x6820] =	vst v0  }
0x1f: {  	[tilespmem:s26+$0x6830] =	vst v0  }
0x20: {  	[tilespmem:s26+$0x6840] =	vst v0  }
0x21: {  	[tilespmem:s26+$0x6850] =	vst v0  }
0x22: {  	[tilespmem:s26+$0x6860] =	vst v0  }
0x23: {  	[spmem:s5] =	stream.linear.scatter [tilespmem:s16], [sflag:$0x3], $0x4000, $0x38;
	[tilespmem:$0x1E800] =	vst v63  }
0x24: {  	_ =	swait.ge [sflag:s17], $0x4000  }
0x25: {  	[sflag:s17] =	ssyncset.done $0x0  }
0x26: {  	[sflag:s17] =	ssyncadd.s32 $0xFFFFC000  }
0x27: {  	[spmem:s12] =	stream.linear.scatter [tilespmem:s16], [sflag:$0x3], $0x4000, $0x38;
	[tilespmem:$0x1E800] =	vst v63  }
0x28: {  	_ =	swait.ge [sflag:s17], $0x4000  }
0x29: {  	[sflag:s17] =	ssyncset.done $0x0  }
0x2a: {  	[sflag:s17] =	ssyncadd.s32 $0xFFFFC000  }
0x2b: {  	[spmem:s13] =	stream.linear.scatter [tilespmem:s16], [sflag:$0x3], $0x4000, $0x38;
	[tilespmem:$0x1E800] =	vst v63  }
0x2c: {  	_ =	swait.ge [sflag:s17], $0x4000  }
0x2d: {  	[sflag:s17] =	ssyncset.done $0x0  }
0x2e: {  	[sflag:s17] =	ssyncadd.s32 $0xFFFFC000  }
0x2f: {  	[spmem:s14] =	stream.linear.scatter [tilespmem:s16], [sflag:$0x3], $0x4000, $0x38;
	[tilespmem:$0x1E800] =	vst v63  }
0x30: {  	_ =	swait.ge [sflag:s17], $0x4000  }
0x31: {  	[sflag:s17] =	ssyncset.done $0x0  }
0x32: {  	[sflag:s17] =	ssyncadd.s32 $0xFFFFC000  }
0x33: {  	[spmem:s15] =	stream.linear.scatter [tilespmem:s16], [sflag:$0x3], $0x4000, $0x38;
	[tilespmem:$0x1E800] =	vst v63  }
0x34: {  	_ =	swait.ge [sflag:s17], $0x4000  }
0x35: {  	[sflag:s17] =	ssyncset.done $0x0  }
0x36: {  	[sflag:s17] =	ssyncadd.s32 $0xFFFFC000  }
0x37: {  	s30 =	simm.s32 $0x0;
	[bflag:$0x0] =	sbarrier.arrive $0xFFFF  }
0x38: {  	[tilespmem:s30], [sflag:$0x3] =	stream.linear.gather [hbm4b:s6+s30], $0x1400, $0x38;
	[tilespmem:$0x1E800] =	vst v63  }
0x39: {  	_ =	swait.ge [sflag:s17], $0x1400  }
0x3a: {  	[sflag:s17] =	ssyncset.done $0x0  }
0x3b: {  	[sflag:s17] =	ssyncadd.s32 $0xFFFFEC00  }
0x3c: {  	[tilespmem:s18], [sflag:$0x3] =	stream.linear.gather [hbm4b:s7+s30], $0x1400, $0x38;
	[tilespmem:$0x1E800] =	vst v63  }
0x3d: {  	_ =	swait.ge [sflag:s17], $0x1400  }
0x3e: {  	[sflag:s17] =	ssyncset.done $0x0  }
0x3f: {  	[sflag:s17] =	ssyncadd.s32 $0xFFFFEC00  }
0x40: {  	[tilespmem:s20], [sflag:$0x1] =	stream.indirect.gather [hbm4b:s1+s19], $0x80, s30, s19, $0xb8;
	[tilespmem:$0x1E800] =	vst v63  }
0x41: {  	s31 =	simm.s32 $0x80  }
0x42: {  	[tilespmem:s16], [sflag:$0x2] =	stream.indirect.gather [hbm4b:s1+s19], $0x80, s31, s19, $0xb8;
	[tilespmem:$0x1E800] =	vst v63  }
0x43: {  	_ =	swait.ge [sflag:s21], $0x4000  }
0x44: {  	[sflag:s21] =	ssyncset.done $0x0  }
0x45: {  	s29 =	simm.s32 $0x1400;
	[sflag:s21] =	ssyncadd.s32 $0xFFFFC000  }
0x46: {  	[spmem:s3] =	stream.indirect.scatter.add.f32 [tilespmem:s20], [sflag:$0x3], $0x80, s29, s19, $0xb8;
	[tilespmem:$0x1E800] =	vst v63  }
0x47: {  	_ =	swait.ge [sflag:s17], $0x4000  }
0x48: {  	[sflag:s17] =	ssyncset.done $0x0  }
0x49: {  	s30 =	simm.s32 $0x100;
	[sflag:s17] =	ssyncadd.s32 $0xFFFFC000  }
0x4a: {  	[tilespmem:s20], [sflag:$0x1] =	stream.indirect.gather [hbm4b:s1+s19], $0x80, s30, s19, $0xb8;
	[tilespmem:$0x1E800] =	vst v63  }
0x4b: {  	_ =	swait.ge [sflag:s22], $0x4000  }
0x4c: {  	[sflag:s22] =	ssyncset.done $0x0  }
0x4d: {  	s31 =	simm.s32 $0x1480;
	[sflag:s22] =	ssyncadd.s32 $0xFFFFC000  }
0x4e: {  	[spmem:s3] =	stream.indirect.scatter.add.f32 [tilespmem:s16], [sflag:$0x3], $0x80, s31, s19, $0xb8;
	[tilespmem:$0x1E800] =	vst v63  }
0x4f: {  	_ =	swait.ge [sflag:s17], $0x4000  }
0x50: {  	s28 =	simm.s32 $0x800;
	s26 =	simm.s32 $0x100;
	[sflag:s17] =	ssyncset.done $0x0  }
.LBB2_4:
0x51: {  	s29 =	sadd.s32 $0x80, s26  }
0x52: {  	[sflag:s17] =	ssyncadd.s32 $0xFFFFC000;
	s30 =	smov.u32 s28;
	s31 =	sadd.s32 $0x400, s28  }
0x53: {  	[tilespmem:s16], [sflag:$0x2] =	stream.indirect.gather [hbm4b:s1+s19], $0x80, s29, s19, $0xb8;
	[tilespmem:$0x1E800] =	vst v63  }
0x54: {  	p0 =	sne.s32 s28, $0x4800;
	_ =	swait.ge [sflag:s21], $0x4000  }
0x55: {  	[sflag:s21] =	ssyncset.done $0x0  }
0x56: {  	s28 =	sadd.s32 $0x1400, s26;
	[sflag:s21] =	ssyncadd.s32 $0xFFFFC000  }
0x57: {  	[spmem:s3] =	stream.indirect.scatter.add.f32 [tilespmem:s20], [sflag:$0x3], $0x80, s28, s19, $0xb8;
	[tilespmem:$0x1E800] =	vst v63  }
0x58: {  	_ =	swait.ge [sflag:s17], $0x4000  }
0x59: {  	[sflag:s17] =	ssyncset.done $0x0  }
0x5a: {  	s28 =	sadd.s32 $0x100, s26;
	[sflag:s17] =	ssyncadd.s32 $0xFFFFC000  }
0x5b: {  	[tilespmem:s20], [sflag:$0x1] =	stream.indirect.gather [hbm4b:s1+s19], $0x80, s28, s19, $0xb8;
	[tilespmem:$0x1E800] =	vst v63  }
0x5c: {  	_ =	swait.ge [sflag:s22], $0x4000  }
.Ltmp1:
0x5d: {  	[sflag:s22] =	ssyncset.done $0x0;
	(pc) =	sbr.rel @p0 .LBB2_4-.Ltmp1, $4  }
0x5e: {  	s26 =	sadd.s32 $0x1480, s26;
	[sflag:s22] =	ssyncadd.s32 $0xFFFFC000  }
0x5f: {  	[spmem:s3] =	stream.indirect.scatter.add.f32 [tilespmem:s16], [sflag:$0x3], $0x80, s26, s19, $0xb8;
	[tilespmem:$0x1E800] =	vst v63  }
0x60: {  	_ =	swait.ge [sflag:s17], $0x4000  }
0x61: {  	s28 =	smov.u32 s31;
	s26 =	sshra.s32 s30, $0x2;
	[sflag:s17] =	ssyncset.done $0x0  }
0x62: {  	s28 =	sadd.s32 $0x80, s26;
	[sflag:s17] =	ssyncadd.s32 $0xFFFFC000  }
0x63: {  	[tilespmem:s16], [sflag:$0x2] =	stream.indirect.gather [hbm4b:s1+s19], $0x80, s28, s19, $0xb8;
	[tilespmem:$0x1E800] =	vst v63  }
0x64: {  	_ =	swait.ge [sflag:s21], $0x4000  }
0x65: {  	[sflag:s21] =	ssyncset.done $0x0  }
0x66: {  	s28 =	sadd.s32 $0x1400, s26;
	[sflag:s21] =	ssyncadd.s32 $0xFFFFC000  }
0x67: {  	[spmem:s3] =	stream.indirect.scatter.add.f32 [tilespmem:s20], [sflag:$0x3], $0x80, s28, s19, $0xb8;
	[tilespmem:$0x1E800] =	vst v63  }
0x68: {  	_ =	swait.ge [sflag:s17], $0x4000  }
0x69: {  	[sflag:s17] =	ssyncset.done $0x0  }
0x6a: {  	s28 =	sadd.s32 $0x100, s26;
	[sflag:s17] =	ssyncadd.s32 $0xFFFFC000  }
0x6b: {  	[tilespmem:s20], [sflag:$0x1] =	stream.indirect.gather [hbm4b:s1+s19], $0x80, s28, s19, $0xb8;
	[tilespmem:$0x1E800] =	vst v63  }
0x6c: {  	_ =	swait.ge [sflag:s22], $0x4000  }
0x6d: {  	[sflag:s22] =	ssyncset.done $0x0  }
0x6e: {  	s29 =	sadd.s32 $0x1480, s26;
	[sflag:s22] =	ssyncadd.s32 $0xFFFFC000  }
0x6f: {  	[spmem:s3] =	stream.indirect.scatter.add.f32 [tilespmem:s16], [sflag:$0x3], $0x80, s29, s19, $0xb8;
	[tilespmem:$0x1E800] =	vst v63  }
0x70: {  	_ =	swait.ge [sflag:s17], $0x4000  }
0x71: {  	[sflag:s17] =	ssyncset.done $0x0  }
0x72: {  	[sflag:s17] =	ssyncadd.s32 $0xFFFFC000  }
0x73: {  	[tilespmem:s16], [sflag:$0x2] =	stream.indirect.gather [hbm4b:s1+s19], $0x80, s23, s19, $0xb8;
	[tilespmem:$0x1E800] =	vst v63  }
0x74: {  	_ =	swait.ge [sflag:s21], $0x4000  }
0x75: {  	[sflag:s21] =	ssyncset.done $0x0  }
0x76: {  	[sflag:s21] =	ssyncadd.s32 $0xFFFFC000  }
0x77: {  	[spmem:s3] =	stream.indirect.scatter.add.f32 [tilespmem:s20], [sflag:$0x3], $0x80, s24, s19, $0xb8;
	[tilespmem:$0x1E800] =	vst v63  }
0x78: {  	_ =	swait.ge [sflag:s17], $0x4000  }
0x79: {  	[sflag:s17] =	ssyncset.done $0x0  }
0x7a: {  	[sflag:s17] =	ssyncadd.s32 $0xFFFFC000  }
0x7b: {  	_ =	swait.ge [sflag:s22], $0x4000  }
0x7c: {  	[sflag:s22] =	ssyncset.done $0x0  }
0x7d: {  	[sflag:s22] =	ssyncadd.s32 $0xFFFFC000  }
0x7e: {  	[spmem:s3] =	stream.indirect.scatter.add.f32 [tilespmem:s16], [sflag:$0x3], $0x80, s25, s19, $0xb8;
	[tilespmem:$0x1E800] =	vst v63  }
0x7f: {  	_ =	swait.ge [sflag:s17], $0x4000  }
0x80: {  	[sflag:s17] =	ssyncset.done $0x0  }
0x81: {  	s30 =	simm.s32 $0x0;
	[sflag:s17] =	ssyncadd.s32 $0xFFFFC000  }
0x82: {  	[tilespmem:s30], [sflag:$0x3] =	stream.linear.gather [hbm4b:s8+s30], $0x1400, $0x38;
	[tilespmem:$0x1E800] =	vst v63  }
0x83: {  	_ =	swait.ge [sflag:s17], $0x1400  }
0x84: {  	[sflag:s17] =	ssyncset.done $0x0  }
0x85: {  	[sflag:s17] =	ssyncadd.s32 $0xFFFFEC00  }
0x86: {  	[tilespmem:s18], [sflag:$0x3] =	stream.linear.gather [hbm4b:s9+s30], $0x1400, $0x38;
	[tilespmem:$0x1E800] =	vst v63  }
0x87: {  	_ =	swait.ge [sflag:s17], $0x1400  }
0x88: {  	[sflag:s17] =	ssyncset.done $0x0  }
0x89: {  	[sflag:s17] =	ssyncadd.s32 $0xFFFFEC00  }
0x8a: {  	[tilespmem:s20], [sflag:$0x1] =	stream.indirect.gather [hbm4b:s1+s19], $0x80, s30, s19, $0xb8;
	[tilespmem:$0x1E800] =	vst v63  }
0x8b: {  	s31 =	simm.s32 $0x80  }
0x8c: {  	[tilespmem:s16], [sflag:$0x2] =	stream.indirect.gather [hbm4b:s1+s19], $0x80, s31, s19, $0xb8;
	[tilespmem:$0x1E800] =	vst v63  }
0x8d: {  	_ =	swait.ge [sflag:s21], $0x4000  }
0x8e: {  	[sflag:s21] =	ssyncset.done $0x0  }
0x8f: {  	s29 =	simm.s32 $0x1400;
	[sflag:s21] =	ssyncadd.s32 $0xFFFFC000  }
0x90: {  	[spmem:s3] =	stream.indirect.scatter.add.f32 [tilespmem:s20], [sflag:$0x3], $0x80, s29, s19, $0xb8;
	[tilespmem:$0x1E800] =	vst v63  }
0x91: {  	_ =	swait.ge [sflag:s17], $0x4000  }
0x92: {  	[sflag:s17] =	ssyncset.done $0x0  }
0x93: {  	s30 =	simm.s32 $0x100;
	[sflag:s17] =	ssyncadd.s32 $0xFFFFC000  }
0x94: {  	[tilespmem:s20], [sflag:$0x1] =	stream.indirect.gather [hbm4b:s1+s19], $0x80, s30, s19, $0xb8;
	[tilespmem:$0x1E800] =	vst v63  }
0x95: {  	_ =	swait.ge [sflag:s22], $0x4000  }
0x96: {  	[sflag:s22] =	ssyncset.done $0x0  }
0x97: {  	s31 =	simm.s32 $0x1480;
	[sflag:s22] =	ssyncadd.s32 $0xFFFFC000  }
0x98: {  	[spmem:s3] =	stream.indirect.scatter.add.f32 [tilespmem:s16], [sflag:$0x3], $0x80, s31, s19, $0xb8;
	[tilespmem:$0x1E800] =	vst v63  }
0x99: {  	_ =	swait.ge [sflag:s17], $0x4000  }
0x9a: {  	s26 =	simm.s32 $0x100;
	s28 =	simm.s32 $0x800;
	[sflag:s17] =	ssyncset.done $0x0  }
.LBB2_6:
0x9b: {  	s29 =	sadd.s32 $0x80, s26  }
0x9c: {  	[sflag:s17] =	ssyncadd.s32 $0xFFFFC000;
	s30 =	smov.u32 s28;
	s31 =	sadd.s32 $0x400, s28  }
0x9d: {  	[tilespmem:s16], [sflag:$0x2] =	stream.indirect.gather [hbm4b:s1+s19], $0x80, s29, s19, $0xb8;
	[tilespmem:$0x1E800] =	vst v63  }
0x9e: {  	p0 =	sne.s32 s28, $0x4800;
	_ =	swait.ge [sflag:s21], $0x4000  }
0x9f: {  	[sflag:s21] =	ssyncset.done $0x0  }
0xa0: {  	s28 =	sadd.s32 $0x1400, s26;
	[sflag:s21] =	ssyncadd.s32 $0xFFFFC000  }
0xa1: {  	[spmem:s3] =	stream.indirect.scatter.add.f32 [tilespmem:s20], [sflag:$0x3], $0x80, s28, s19, $0xb8;
	[tilespmem:$0x1E800] =	vst v63  }
0xa2: {  	_ =	swait.ge [sflag:s17], $0x4000  }
0xa3: {  	[sflag:s17] =	ssyncset.done $0x0  }
0xa4: {  	s28 =	sadd.s32 $0x100, s26;
	[sflag:s17] =	ssyncadd.s32 $0xFFFFC000  }
0xa5: {  	[tilespmem:s20], [sflag:$0x1] =	stream.indirect.gather [hbm4b:s1+s19], $0x80, s28, s19, $0xb8;
	[tilespmem:$0x1E800] =	vst v63  }
0xa6: {  	_ =	swait.ge [sflag:s22], $0x4000  }
.Ltmp2:
0xa7: {  	[sflag:s22] =	ssyncset.done $0x0;
	(pc) =	sbr.rel @p0 .LBB2_6-.Ltmp2, $4  }
0xa8: {  	s26 =	sadd.s32 $0x1480, s26;
	[sflag:s22] =	ssyncadd.s32 $0xFFFFC000  }
0xa9: {  	[spmem:s3] =	stream.indirect.scatter.add.f32 [tilespmem:s16], [sflag:$0x3], $0x80, s26, s19, $0xb8;
	[tilespmem:$0x1E800] =	vst v63  }
0xaa: {  	_ =	swait.ge [sflag:s17], $0x4000  }
0xab: {  	s28 =	smov.u32 s31;
	s26 =	sshra.s32 s30, $0x2;
	[sflag:s17] =	ssyncset.done $0x0  }
0xac: {  	s28 =	sadd.s32 $0x80, s26;
	[sflag:s17] =	ssyncadd.s32 $0xFFFFC000  }
0xad: {  	[tilespmem:s16], [sflag:$0x2] =	stream.indirect.gather [hbm4b:s1+s19], $0x80, s28, s19, $0xb8;
	[tilespmem:$0x1E800] =	vst v63  }
0xae: {  	_ =	swait.ge [sflag:s21], $0x4000  }
0xaf: {  	[sflag:s21] =	ssyncset.done $0x0  }
0xb0: {  	s30 =	sadd.s32 $0x1400, s26;
	[sflag:s21] =	ssyncadd.s32 $0xFFFFC000  }
0xb1: {  	[spmem:s3] =	stream.indirect.scatter.add.f32 [tilespmem:s20], [sflag:$0x3], $0x80, s30, s19, $0xb8;
	[tilespmem:$0x1E800] =	vst v63  }
0xb2: {  	_ =	swait.ge [sflag:s17], $0x4000  }
0xb3: {  	[sflag:s17] =	ssyncset.done $0x0  }
0xb4: {  	s31 =	sadd.s32 $0x100, s26;
	[sflag:s17] =	ssyncadd.s32 $0xFFFFC000  }
0xb5: {  	[tilespmem:s20], [sflag:$0x1] =	stream.indirect.gather [hbm4b:s1+s19], $0x80, s31, s19, $0xb8;
	[tilespmem:$0x1E800] =	vst v63  }
0xb6: {  	_ =	swait.ge [sflag:s22], $0x4000  }
0xb7: {  	[sflag:s22] =	ssyncset.done $0x0  }
0xb8: {  	s29 =	sadd.s32 $0x1480, s26;
	[sflag:s22] =	ssyncadd.s32 $0xFFFFC000  }
0xb9: {  	[spmem:s3] =	stream.indirect.scatter.add.f32 [tilespmem:s16], [sflag:$0x3], $0x80, s29, s19, $0xb8;
	[tilespmem:$0x1E800] =	vst v63  }
0xba: {  	_ =	swait.ge [sflag:s17], $0x4000  }
0xbb: {  	[sflag:s17] =	ssyncset.done $0x0  }
0xbc: {  	[sflag:s17] =	ssyncadd.s32 $0xFFFFC000  }
0xbd: {  	[tilespmem:s16], [sflag:$0x2] =	stream.indirect.gather [hbm4b:s1+s19], $0x80, s23, s19, $0xb8;
	[tilespmem:$0x1E800] =	vst v63  }
0xbe: {  	_ =	swait.ge [sflag:s21], $0x4000  }
0xbf: {  	[sflag:s21] =	ssyncset.done $0x0  }
0xc0: {  	[sflag:s21] =	ssyncadd.s32 $0xFFFFC000  }
0xc1: {  	[spmem:s3] =	stream.indirect.scatter.add.f32 [tilespmem:s20], [sflag:$0x3], $0x80, s24, s19, $0xb8;
	[tilespmem:$0x1E800] =	vst v63  }
0xc2: {  	_ =	swait.ge [sflag:s17], $0x4000  }
0xc3: {  	[sflag:s17] =	ssyncset.done $0x0  }
0xc4: {  	[sflag:s17] =	ssyncadd.s32 $0xFFFFC000  }
0xc5: {  	_ =	swait.ge [sflag:s22], $0x4000  }
0xc6: {  	[sflag:s22] =	ssyncset.done $0x0  }
0xc7: {  	[sflag:s22] =	ssyncadd.s32 $0xFFFFC000  }
0xc8: {  	[spmem:s3] =	stream.indirect.scatter.add.f32 [tilespmem:s16], [sflag:$0x3], $0x80, s25, s19, $0xb8;
	[tilespmem:$0x1E800] =	vst v63  }
0xc9: {  	_ =	swait.ge [sflag:s17], $0x4000  }
0xca: {  	s4 =	sadd.s32 $0x1, s4;
	s30 =	sshll.u32 s0, $0x6;
	[sflag:s17] =	ssyncset.done $0x0  }
0xcb: {  	p0 =	sne.s32 s4, s11;
	s26 =	sor.u32 $0x1C03, s30;
	[sflag:s17] =	ssyncadd.s32 $0xFFFFC000  }
.Ltmp3:
0xcc: {  	s31 =	sshrl.u32 s5, $0x3;
	[bflag:$0x0] =	sbarrier.arrive $0xFFFF;
	(pc) =	sbr.rel @p0 .LBB2_1-.Ltmp3, $4  }
0xcd: {  	[hbm:s10], [sflag:s26] =	dma.local [spmem:s31], $0x2800  }
0xce: {  	_ =	swait.ge [sflag:s17], $0x2800  }
0xcf: {  	[sflag:s17] =	ssyncset.done $0x0  }
0xd0: {  	[sflag:s17] =	ssyncadd.s32 $0xFFFFD800  }
0xd1: {  	_ =	sfence.sel $0x180000  }
0xd2: {  	[bflag:$0x0] =	sbarrier.arrive $0xFFFF  }
0xd3: {  	p0 =	sne.s32 s0, $0x0;
	_ =	strace $0x9000004A  }
0xd4: {  	s0 =	sadd.s32 @!p0 $0x100000, s2;
	[bflag:$0x2] =	sbarrier.arrive $0xFFFF  }
0xd5: {  	[sflag:s0] =	ssyncadd.tile.s32 @!p0 $0x1;
	_ =	shalt  }
.Lfunc_end2:
_tile_overlayer_lowered:
.L_overlay_start_2:
0xd6: {  	(tag) =	ssettag $0x2  }
0xd7: {  	s0 =	rddreg [dreg:$0x0];
	s2 =	stileid.u32  }
0xd8: {  	s1 =	rddreg [dreg:$0x1];
	p0 =	sne.s32 s2, $0x0  }
0xd9: {  	s3 =	rddreg [dreg:$0x2];
	[bflag:$0x3] =	sbarrier.arrive $0xFFFF;
	s2 =	simm.s32 @!p0 $0x1C03  }
0xda: {  	[timem:s3], [sflag:s2] =	dma.local @!p0 [hbm:s0], s1  }
0xdb: {  	s0 =	simm.s32 @!p0 $0x3  }
0xdc: {  	_ =	swait.ge @!p0 [sflag:s0], s1  }
0xdd: {  	s1 =	ssub.s32 @!p0 $0x0, s1;
	[sflag:s0] =	ssyncset.done @!p0 $0x0  }
0xde: {  	[sflag:s0] =	ssyncadd.s32 @!p0 s1  }
0xdf: {  	[bflag:$0x3] =	sbarrier.arrive $0xFFFF  }
0xe0: {  	_ =	shalt  }

</sc_bundles>
